<compile_context>
chip_gen: v7x
topology: tpu7x:2x2x1
jax: 0.10.2.dev20260603
libtpu: 0.0.44.dev20260713+nightly
codegen_flags: <defaults>
</compile_context>

<pallas_src>
import functools

import jax
import jax.numpy as jnp
from jax import lax
from jax.experimental import pallas as pl
from jax.experimental.pallas import tpu as pltpu
from jax.experimental.pallas import tpu_sc as plsc

B = 16
HW = 320
PATCH = 8
D_PATCH = 192
D_PAD = 256
D_FEAT = 384
N_CLUSTER = 27
N_POS = 128
TEMP = 0.1
N_TOK = 25600
TN = 512


def _s1a_body(x_ref, w_ref, c_ref, f_ref, cf_ref):
    f = jnp.dot(x_ref[...], w_ref[...], preferred_element_type=jnp.float32)
    f_ref[...] = f
    cf_ref[...] = jax.lax.dot_general(c_ref[...], f, (((1,), (1,)), ((), ())),
                                      preferred_element_type=jnp.float32)


def _s1a(x, W_embed, centroids):
    grid = N_TOK // TN
    return pl.pallas_call(
        _s1a_body,
        grid=(grid,),
        in_specs=[
            pl.BlockSpec((TN, D_PATCH), lambda i: (i, 0)),
            pl.BlockSpec((D_PATCH, D_FEAT), lambda i: (0, 0)),
            pl.BlockSpec((N_CLUSTER, D_FEAT), lambda i: (0, 0)),
        ],
        out_specs=[
            pl.BlockSpec((TN, D_FEAT), lambda i: (i, 0)),
            pl.BlockSpec((N_CLUSTER, TN), lambda i: (0, i)),
        ],
        out_shape=[
            jax.ShapeDtypeStruct((N_TOK, D_FEAT), jnp.float32),
            jax.ShapeDtypeStruct((N_CLUSTER, N_TOK), jnp.float32),
        ],
    )(x, W_embed, centroids)


def _s1b_body(cf_ref, x2_ref, c2_ref, dist_ref):
    d2 = c2_ref[...] + x2_ref[...] - 2.0 * cf_ref[...]
    dist_ref[...] = jnp.sqrt(jnp.clip(d2, 0.0))


def _s1b(cf, x2, c2):
    grid = N_TOK // 3200
    return pl.pallas_call(
        _s1b_body,
        grid=(grid,),
        in_specs=[
            pl.BlockSpec((N_CLUSTER, 3200), lambda i: (0, i)),
            pl.BlockSpec((1, 3200), lambda i: (0, i)),
            pl.BlockSpec((N_CLUSTER, 1), lambda i: (0, 0)),
        ],
        out_specs=pl.BlockSpec((N_CLUSTER, 3200), lambda i: (0, i)),
        out_shape=jax.ShapeDtypeStruct((N_CLUSTER, N_TOK), jnp.float32),
    )(cf, x2, c2)


_CHUNK = 256
_NCHUNK = N_TOK // _CHUNK
_L1PAD = 112
_BIG = 1 << 30


def _s2_topk_gather(dist, x):
    mesh = plsc.VectorSubcoreMesh(core_axis_name="c", subcore_axis_name="s")

    @functools.partial(
        pl.kernel, mesh=mesh,
        compiler_params=pltpu.CompilerParams(needs_layout_passes=False,
                                             use_tc_tiling_on_sc=True),
        out_type=[
            jax.ShapeDtypeStruct((N_CLUSTER, N_POS), jnp.int32),
            jax.ShapeDtypeStruct((N_CLUSTER * N_POS, D_PAD), jnp.float32),
        ],
        scratch_types=[
            pltpu.VMEM((N_TOK,), jnp.float32),
            pltpu.VMEM((_L1PAD,), jnp.float32),
            pltpu.VMEM((N_POS,), jnp.int32),
            pltpu.VMEM((N_POS, D_PAD), jnp.float32),
            pltpu.SemaphoreType.DMA,
        ],
    )
    def k(dist_hbm, x_hbm, idx_hbm, posx_hbm, row_v, l1_v, idxb_v, rows_v, sem):
        wid = lax.axis_index("s") * 2 + lax.axis_index("c")

        @pl.when(wid < N_CLUSTER)
        def _():
            iota = lax.iota(jnp.int32, 16)
            pltpu.sync_copy(dist_hbm.at[wid], row_v)

            l1_v[pl.ds(96, 16)] = jnp.where(iota < 4, 0.0, -1.0)

            def build_chunk(c, carry):
                base = c * _CHUNK
                m = row_v[pl.ds(base, 16)]
                for j in range(1, 16):
                    m = jnp.maximum(m, row_v[pl.ds(base + j * 16, 16)])
                cm = jnp.max(m)
                off = (c // 16) * 16
                cur = l1_v[pl.ds(off, 16)]
                l1_v[pl.ds(off, 16)] = jnp.where(iota == (c - off), cm, cur)
                return carry

            lax.fori_loop(0, _NCHUNK, build_chunk, 0)

            def extract(i, carry):
                v = l1_v[pl.ds(0, 16)]
                for g in range(1, 7):
                    v = jnp.maximum(v, l1_v[pl.ds(g * 16, 16)])
                m = jnp.max(v)
                cstar = _BIG
                for g in range(7):
                    lv = l1_v[pl.ds(g * 16, 16)]
                    cand = jnp.where(lv == m, iota + g * 16, _BIG)
                    cstar = jnp.minimum(cstar, jnp.min(cand))
                base = cstar * _CHUNK
                gidx = _BIG
                for j in range(16):
                    vj = row_v[pl.ds(base + j * 16, 16)]
                    cand = jnp.where(vj == m, iota + j * 16, _BIG)
                    gidx = jnp.minimum(gidx, jnp.min(cand))
                gflat = base + gidx
                goff = (i // 16) * 16
                ib = idxb_v[pl.ds(goff, 16)]
                idxb_v[pl.ds(goff, 16)] = jnp.where(iota == (i - goff), gflat, ib)
                ebase = (gflat // 16) * 16
                ev = row_v[pl.ds(ebase, 16)]
                row_v[pl.ds(ebase, 16)] = jnp.where(iota == (gflat - ebase), -1.0, ev)
                m2 = row_v[pl.ds(base, 16)]
                for j in range(1, 16):
                    m2 = jnp.maximum(m2, row_v[pl.ds(base + j * 16, 16)])
                cm2 = jnp.max(m2)
                loff = (cstar // 16) * 16
                lv2 = l1_v[pl.ds(loff, 16)]
                l1_v[pl.ds(loff, 16)] = jnp.where(iota == (cstar - loff), cm2, lv2)
                return carry

            lax.fori_loop(0, N_POS, extract, 0)

            pltpu.async_copy(x_hbm.at[idxb_v], rows_v, sem).wait()
            pltpu.sync_copy(rows_v, posx_hbm.at[pl.ds(wid * N_POS, N_POS)])
            pltpu.sync_copy(idxb_v, idx_hbm.at[wid])

    return k(dist, x)


_TS3 = 384


def _s3_body(px_ref, bi_ref, stab_ref, otab_ref, w_ref, w10_ref, w20_ref,
             w11_ref, w21_ref, out1_ref, f1n_ref, f2n_ref):
    px = px_ref[...]
    f_ori = jnp.dot(px, w_ref[...], preferred_element_type=jnp.float32)
    onehot = (bi_ref[...] == lax.broadcasted_iota(jnp.int32, (1, B), 1)
              ).astype(jnp.float32)
    s_g = jnp.dot(onehot, stab_ref[...], preferred_element_type=jnp.float32)
    o_g = jnp.dot(onehot,
                  jnp.dot(otab_ref[...], w_ref[...],
                          preferred_element_type=jnp.float32),
                  preferred_element_type=jnp.float32)
    f_aug = jnp.dot(px * s_g, w_ref[...], preferred_element_type=jnp.float32) + o_g

    def mlp(h):
        for w1_ref, w2_ref in ((w10_ref, w20_ref), (w11_ref, w21_ref)):
            t = jax.nn.relu(jnp.dot(h, w1_ref[...],
                                    preferred_element_type=jnp.float32))
            h = h + jnp.dot(t, w2_ref[...], preferred_element_type=jnp.float32)
        return h

    h_o = mlp(f_ori)
    h_a = mlp(f_aug)
    out1_ref[...] = h_o
    f1n_ref[...] = h_o / (jnp.sqrt(jnp.sum(h_o * h_o, axis=1, keepdims=True)) + 1e-8)
    f2n_ref[...] = h_a / (jnp.sqrt(jnp.sum(h_a * h_a, axis=1, keepdims=True)) + 1e-8)


def _s3(pos_x, b_idx, s_tab, o_tab, W_pad, W1_0, W2_0, W1_1, W2_1):
    n = N_CLUSTER * N_POS
    grid = n // _TS3
    full = lambda r, c: pl.BlockSpec((r, c), lambda i: (0, 0))
    return pl.pallas_call(
        _s3_body,
        grid=(grid,),
        in_specs=[
            pl.BlockSpec((_TS3, D_PAD), lambda i: (i, 0)),
            pl.BlockSpec((_TS3, 1), lambda i: (i, 0)),
            full(B, D_PAD), full(B, D_PAD), full(D_PAD, D_FEAT),
            full(D_FEAT, D_FEAT), full(D_FEAT, D_FEAT),
            full(D_FEAT, D_FEAT), full(D_FEAT, D_FEAT),
        ],
        out_specs=[
            pl.BlockSpec((_TS3, D_FEAT), lambda i: (i, 0)),
            pl.BlockSpec((_TS3, D_FEAT), lambda i: (i, 0)),
            pl.BlockSpec((_TS3, D_FEAT), lambda i: (i, 0)),
        ],
        out_shape=[
            jax.ShapeDtypeStruct((n, D_FEAT), jnp.float32),
            jax.ShapeDtypeStruct((n, D_FEAT), jnp.float32),
            jax.ShapeDtypeStruct((n, D_FEAT), jnp.float32),
        ],
    )(pos_x, b_idx, s_tab, o_tab, W_pad, W1_0, W2_0, W1_1, W2_1)


def _s4_body(f1_ref, f2_ref, f2d_ref, loss_ref, acc_ref):
    i = pl.program_id(0)
    f1 = f1_ref[...]
    logits = jax.lax.dot_general(
        f1, f2_ref[...], (((1,), (1,)), ((), ())),
        preferred_element_type=jnp.float32) / TEMP
    m = jnp.max(logits, axis=1, keepdims=True)
    lse = m + jnp.log(jnp.sum(jnp.exp(logits - m), axis=1, keepdims=True))
    diag = jnp.sum(f1 * f2d_ref[...], axis=1, keepdims=True) / TEMP
    part = jnp.sum(lse - diag)

    @pl.when(i == 0)
    def _():
        acc_ref[0, 0] = 0.0

    acc_ref[0, 0] += part

    @pl.when(i == pl.num_programs(0) - 1)
    def _():
        loss_ref[...] = jnp.full((1, 1), acc_ref[0, 0] / (N_CLUSTER * N_POS),
                                 jnp.float32)


def _s4(f1n, f2n):
    n = N_CLUSTER * N_POS
    grid = n // _TS3
    return pl.pallas_call(
        _s4_body,
        grid=(grid,),
        in_specs=[
            pl.BlockSpec((_TS3, D_FEAT), lambda i: (i, 0)),
            pl.BlockSpec((n, D_FEAT), lambda i: (0, 0)),
            pl.BlockSpec((_TS3, D_FEAT), lambda i: (i, 0)),
        ],
        out_specs=pl.BlockSpec((1, 1), lambda i: (0, 0)),
        out_shape=jax.ShapeDtypeStruct((1, 1), jnp.float32),
        scratch_shapes=[pltpu.SMEM((1, 1), jnp.float32)],
    )(f1n, f2n, f2n)


def kernel(img, scale, offset, W_embed, centroids, W1_0, W2_0, W1_1, W2_1):
    x = img.reshape(B, 3, HW // PATCH, PATCH, HW // PATCH, PATCH)
    x = x.transpose(0, 2, 4, 1, 3, 5).reshape(N_TOK, D_PATCH)
    x_pad = jnp.pad(x, ((0, 0), (0, D_PAD - D_PATCH)))
    W_pad = jnp.pad(W_embed, ((0, D_PAD - D_PATCH), (0, 0)))

    f = x @ W_embed
    x2 = jnp.sum(f ** 2, axis=1)[None, :]
    c2 = jnp.sum(centroids ** 2, axis=1, keepdims=True)
    dist = jnp.sqrt(jnp.clip(c2 + x2 - 2.0 * (centroids @ f.T), 0.0))

    idx, pos_x = _s2_topk_gather(dist, x_pad)
    b_idx = (idx.reshape(-1, 1) // (N_TOK // B)).astype(jnp.int32)
    s_tab = jnp.repeat(scale.reshape(B, 3), PATCH * PATCH, axis=1)
    o_tab = jnp.repeat(offset.reshape(B, 3), PATCH * PATCH, axis=1)
    s_tab = jnp.pad(s_tab, ((0, 0), (0, D_PAD - D_PATCH)))
    o_tab = jnp.pad(o_tab, ((0, 0), (0, D_PAD - D_PATCH)))

    out1, f1n, f2n = _s3(pos_x, b_idx, s_tab, o_tab, W_pad,
                         W1_0, W2_0, W1_1, W2_1)
    loss = _s4(f1n, f2n).reshape(())
    return out1, loss

# --- scband reference (transcript-rebuilt; emitter-appended) ---
"""Pipeline reference for scband-dinocluster-36352603193736 (READ-ONLY COPY).

The authoritative reference and input builder live on the scoring server;
editing this copy changes nothing except your own understanding.
"""

import jax, jax.numpy as jnp
import numpy as np

B = 16
HW = 320
PATCH = 8
D_PATCH = 3 * PATCH * PATCH  # 192
D_FEAT = 384  # DINO ViT-S/8 n_feats
N_CLUSTER = 27
N_POS = 128
TEMP = 0.1


def patch_embed(img, W):
    # stand-in for the frozen DinoFeaturizer: 8x8 patchify + linear proj to 384
    b, c, h, w = img.shape
    ph, pw = h // PATCH, w // PATCH
    x = img.reshape(b, c, ph, PATCH, pw, PATCH)
    x = x.transpose(0, 2, 4, 1, 3, 5).reshape(b * ph * pw, c * PATCH * PATCH)
    return x @ W  # [b*ph*pw, D_FEAT] token features, (0,2,3,1)->view(-1,d) layout


def setup_inputs(seed: int = 0) -> dict:
    key = jax.random.key(seed)
    ks = jax.random.split(key, 10)
    img = jax.random.normal(ks[0], (B, 3, HW, HW), dtype=jnp.float32)
    # photometric aug params (uniform scale 0.9-1.1, offset -0.1-0.1)
    scale = jax.random.uniform(ks[1], (B, 3, 1, 1), minval=0.9, maxval=1.1, dtype=jnp.float32)
    offset = jax.random.uniform(ks[2], (B, 3, 1, 1), minval=-0.1, maxval=0.1, dtype=jnp.float32)
    W_embed = jax.random.normal(ks[3], (D_PATCH, D_FEAT), dtype=jnp.float32) * 0.02
    centroids = jax.random.normal(ks[4], (N_CLUSTER, D_FEAT), dtype=jnp.float32)  # k-means cluster centers
    # semantic_enc_proj: 2 EncResBlocks (residual MLP blocks 384->384)
    W1_0 = jax.random.normal(ks[5], (D_FEAT, D_FEAT), dtype=jnp.float32) * 0.05
    W2_0 = jax.random.normal(ks[6], (D_FEAT, D_FEAT), dtype=jnp.float32) * 0.05
    W1_1 = jax.random.normal(ks[7], (D_FEAT, D_FEAT), dtype=jnp.float32) * 0.05
    W2_1 = jax.random.normal(ks[8], (D_FEAT, D_FEAT), dtype=jnp.float32) * 0.05
    return {"img": img, "scale": scale, "offset": offset, "W_embed": W_embed,
            "centroids": centroids, "W1_0": W1_0, "W2_0": W2_0, "W1_1": W1_1, "W2_1": W2_1}


def reference(img, scale, offset, W_embed, centroids, W1_0, W2_0, W1_1, W2_1):
    # stage==1 branch of DINOCluster.forward
    img_aug = img * scale + offset  # _photometric_aug
    ori_feat = patch_embed(img, W_embed)       # [N, 384], N = 16*40*40 = 25600
    aug_feat = patch_embed(img_aug, W_embed)   # [N, 384]
    # cdist(centroids, ori_feat): squared-expansion form to avoid [K,N,d] blowup
    c2 = jnp.sum(centroids ** 2, axis=1, keepdims=True)          # [K,1]
    x2 = jnp.sum(ori_feat ** 2, axis=1)[None, :]                 # [1,N]
    d2 = c2 + x2 - 2.0 * (centroids @ ori_feat.T)                # [K,N]
    dist = jnp.sqrt(jnp.clip(d2, 0.0))
    # torch.topk on distances (largest=True, as in the source) -> n_pos indices per cluster
    _, idx = jax.lax.top_k(dist, N_POS)                          # [K, n_pos]
    flat_idx = idx.reshape(-1)
    # F.embedding gathers of positives from ori / aug feature banks
    pos_ori_feat = jnp.take(ori_feat, flat_idx, axis=0)          # [K*n_pos, 384]
    pos_aug_feat = jnp.take(aug_feat, flat_idx, axis=0)          # [K*n_pos, 384]
    dino_feat = jnp.concatenate([pos_ori_feat, pos_aug_feat], axis=0)
    # semantic_enc_proj: residual MLP blocks
    h = dino_feat
    for W1, W2 in ((W1_0, W2_0), (W1_1, W2_1)):
        h = h + jax.nn.relu(h @ W1) @ W2
    semantic_feat_img1, semantic_feat_img2 = jnp.split(h, 2, axis=0)
    # InfoNCE loss (l2 normalize, temperature, diagonal positives)
    f1 = semantic_feat_img1 / (jnp.linalg.norm(semantic_feat_img1, axis=1, keepdims=True) + 1e-8)
    f2 = semantic_feat_img2 / (jnp.linalg.norm(semantic_feat_img2, axis=1, keepdims=True) + 1e-8)
    logits = (f1 @ f2.T) / TEMP                                  # [3456, 3456]
    logp = jax.nn.log_softmax(logits, axis=1)
    loss = -jnp.mean(jnp.diagonal(logp))
    return semantic_feat_img1, loss

if __name__ == "__main__":
    import jax
    _d = setup_inputs()
    print(jax.jit(kernel)(*tuple(_d.values())))

</pallas_src>

<mosaic_0001>
#map = affine_map<(d0, d1) -> (0, 0)>
module attributes {stable_mosaic.version = 14 : i64} {
  func.func @k(%arg0: i32, %arg1: i32, %arg2: memref<27x25600xf32, #tpu.memory_space<hbm>>, %arg3: memref<25600x256xf32, #tpu.memory_space<hbm>>, %arg4: memref<27x128xi32, #tpu.memory_space<hbm>>, %arg5: memref<3456x256xf32, #tpu.memory_space<hbm>>, %arg6: memref<25600xf32, #tpu.memory_space<vmem>>, %arg7: memref<112xf32, #tpu.memory_space<vmem>>, %arg8: memref<128xi32, #tpu.memory_space<vmem>>, %arg9: memref<128x256xf32, #tpu.memory_space<vmem>>, %arg10: memref<!tpu.dma_semaphore, #tpu.memory_space<semaphore_mem>>) attributes {dimension_semantics = [#tpu.dimension_semantics<core_parallel>, #tpu.dimension_semantics<subcore_parallel>], iteration_bounds = array<i64: 2, 16>, scalar_prefetch = 0 : i64, scratch_operands = 5 : i64, tpu.core_type = #tpu.core_type<sc_vector_subcore>, window_params = [{transform_indices = #map}, {transform_indices = #map}, {transform_indices = #map}, {transform_indices = #map}]} {
    %mul3A = arith.constant 2 : i32
    %mul3A_0 = arith.muli %arg1, %mul3A : i32
    %add3A = arith.addi %mul3A_0, %arg0 : i32
    %lt3A = arith.constant 27 : i32
    %lt3A_1 = arith.cmpi slt, %add3A, %lt3A : i32
    %convert_element_type3A = arith.extui %lt3A_1 : i1 to i32
    %cond3A = arith.constant 0 : i32
    %cond3A_2 = arith.cmpi ne, %convert_element_type3A, %cond3A : i32
    scf.if %cond3A_2 {
      %iota3A = tpu.iota {dimensions = array<i32: 0>} : vector<16xi32>
      "tpu.region"() ({
        %run_scoped3A = tpu.sem_alloc : memref<!tpu.dma_semaphore, #tpu.memory_space<semaphore_mem>>
        %dma_start3A_26 = arith.constant 0 : i32
        %dma_start3A_27 = tpu.memref_slice %arg2[%add3A, %dma_start3A_26] : memref<27x25600xf32, #tpu.memory_space<hbm>> -> memref<1x25600xf32, #tpu.memory_space<hbm>>
        %dma_start3A_28 = tpu.memref_squeeze %dma_start3A_27 : memref<1x25600xf32, #tpu.memory_space<hbm>> -> memref<25600xf32, #tpu.memory_space<hbm>>
        %dma_start3A_29 = arith.constant 0 : i32
        %dma_start3A_30 = tpu.memref_slice %arg2[%add3A, %dma_start3A_29] : memref<27x25600xf32, #tpu.memory_space<hbm>> -> memref<1x25600xf32, #tpu.memory_space<hbm>>
        %dma_start3A_31 = tpu.memref_squeeze %dma_start3A_30 : memref<1x25600xf32, #tpu.memory_space<hbm>> -> memref<25600xf32, #tpu.memory_space<hbm>>
        tpu.enqueue_dma source(%dma_start3A_31 : memref<25600xf32, #tpu.memory_space<hbm>>) target(%arg6 : memref<25600xf32, #tpu.memory_space<vmem>>) target_semaphore(%run_scoped3A : memref<!tpu.dma_semaphore, #tpu.memory_space<semaphore_mem>>)
        %dma_wait3A_32 = arith.constant 0 : i32
        %dma_wait3A_33 = tpu.memref_slice %arg2[%add3A, %dma_wait3A_32] : memref<27x25600xf32, #tpu.memory_space<hbm>> -> memref<1x25600xf32, #tpu.memory_space<hbm>>
        %dma_wait3A_34 = tpu.memref_squeeze %dma_wait3A_33 : memref<1x25600xf32, #tpu.memory_space<hbm>> -> memref<25600xf32, #tpu.memory_space<hbm>>
        %dma_wait3A_35 = arith.constant 0 : i32
        %dma_wait3A_36 = tpu.memref_slice %arg2[%add3A, %dma_wait3A_35] : memref<27x25600xf32, #tpu.memory_space<hbm>> -> memref<1x25600xf32, #tpu.memory_space<hbm>>
        %dma_wait3A_37 = tpu.memref_squeeze %dma_wait3A_36 : memref<1x25600xf32, #tpu.memory_space<hbm>> -> memref<25600xf32, #tpu.memory_space<hbm>>
        tpu.wait_dma2 semaphore(%run_scoped3A : memref<!tpu.dma_semaphore, #tpu.memory_space<semaphore_mem>>) src(%dma_wait3A_37 : memref<25600xf32, #tpu.memory_space<hbm>>) dst(%arg6 : memref<25600xf32, #tpu.memory_space<vmem>>)
        tpu.yield
      }) : () -> ()
      %lt3A_3 = arith.constant 4 : i32
      %lt3A_4 = vector.broadcast %lt3A_3 : i32 to vector<16xi32>
      %lt3A_5 = arith.cmpi slt, %iota3A, %lt3A_4 : vector<16xi32>
      %jit3A = arith.constant 0.000000e+00 : f32
      %jit3A_6 = arith.constant -1.000000e+00 : f32
      %broadcast_in_dim3A = vector.broadcast %jit3A : f32 to vector<16xf32>
      %broadcast_in_dim3A_7 = vector.broadcast %jit3A_6 : f32 to vector<16xf32>
      %select_n3A = arith.select %lt3A_5, %broadcast_in_dim3A, %broadcast_in_dim3A_7 : vector<16xi1>, vector<16xf32>
      %swap3A = arith.constant 96 : index
      %swap3A_8 = tpu.vector_load %arg7[%swap3A] {strides = array<i32>} : memref<112xf32, #tpu.memory_space<vmem>>, vector<16xf32>,
      tpu.vector_store %arg7[%swap3A], %select_n3A {strides = array<i32>} : memref<112xf32, #tpu.memory_space<vmem>>, vector<16xf32>,
      %scan3A = arith.constant 0 : i32
      %scan3A_9 = arith.constant 0 : i32
      %scan3A_10 = arith.constant 100 : i32
      %scan3A_11 = arith.addi %scan3A_9, %scan3A_10 : i32
      %scan3A_12 = arith.constant 1 : i32
      scf.for %scan3A_26 = %scan3A_9 to %scan3A_11 step %scan3A_12  : i32 {
        %mul3A_27 = arith.constant 256 : i32
        %mul3A_28 = arith.muli %scan3A_26, %mul3A_27 : i32
        %get3A = arith.index_cast %mul3A_28 : i32 to index
        %get3A_29 = tpu.vector_load %arg6[%get3A] {strides = array<i32>} : memref<25600xf32, #tpu.memory_space<vmem>>, vector<16xf32>,
        %add3A_30 = arith.constant 16 : i32
        %add3A_31 = arith.addi %mul3A_28, %add3A_30 : i32
        %get3A_32 = arith.index_cast %add3A_31 : i32 to index
        %get3A_33 = tpu.vector_load %arg6[%get3A_32] {strides = array<i32>} : memref<25600xf32, #tpu.memory_space<vmem>>, vector<16xf32>,
        %max3A = arith.maximumf %get3A_29, %get3A_33 : vector<16xf32>
        %add3A_34 = arith.constant 32 : i32
        %add3A_35 = arith.addi %mul3A_28, %add3A_34 : i32
        %get3A_36 = arith.index_cast %add3A_35 : i32 to index
        %get3A_37 = tpu.vector_load %arg6[%get3A_36] {strides = array<i32>} : memref<25600xf32, #tpu.memory_space<vmem>>, vector<16xf32>,
        %max3A_38 = arith.maximumf %max3A, %get3A_37 : vector<16xf32>
        %add3A_39 = arith.constant 48 : i32
        %add3A_40 = arith.addi %mul3A_28, %add3A_39 : i32
        %get3A_41 = arith.index_cast %add3A_40 : i32 to index
        %get3A_42 = tpu.vector_load %arg6[%get3A_41] {strides = array<i32>} : memref<25600xf32, #tpu.memory_space<vmem>>, vector<16xf32>,
        %max3A_43 = arith.maximumf %max3A_38, %get3A_42 : vector<16xf32>
        %add3A_44 = arith.constant 64 : i32
        %add3A_45 = arith.addi %mul3A_28, %add3A_44 : i32
        %get3A_46 = arith.index_cast %add3A_45 : i32 to index
        %get3A_47 = tpu.vector_load %arg6[%get3A_46] {strides = array<i32>} : memref<25600xf32, #tpu.memory_space<vmem>>, vector<16xf32>,
        %max3A_48 = arith.maximumf %max3A_43, %get3A_47 : vector<16xf32>
        %add3A_49 = arith.constant 80 : i32
        %add3A_50 = arith.addi %mul3A_28, %add3A_49 : i32
        %get3A_51 = arith.index_cast %add3A_50 : i32 to index
        %get3A_52 = tpu.vector_load %arg6[%get3A_51] {strides = array<i32>} : memref<25600xf32, #tpu.memory_space<vmem>>, vector<16xf32>,
        %max3A_53 = arith.maximumf %max3A_48, %get3A_52 : vector<16xf32>
        %add3A_54 = arith.constant 96 : i32
        %add3A_55 = arith.addi %mul3A_28, %add3A_54 : i32
        %get3A_56 = arith.index_cast %add3A_55 : i32 to index
        %get3A_57 = tpu.vector_load %arg6[%get3A_56] {strides = array<i32>} : memref<25600xf32, #tpu.memory_space<vmem>>, vector<16xf32>,
        %max3A_58 = arith.maximumf %max3A_53, %get3A_57 : vector<16xf32>
        %add3A_59 = arith.constant 112 : i32
        %add3A_60 = arith.addi %mul3A_28, %add3A_59 : i32
        %get3A_61 = arith.index_cast %add3A_60 : i32 to index
        %get3A_62 = tpu.vector_load %arg6[%get3A_61] {strides = array<i32>} : memref<25600xf32, #tpu.memory_space<vmem>>, vector<16xf32>,
        %max3A_63 = arith.maximumf %max3A_58, %get3A_62 : vector<16xf32>
        %add3A_64 = arith.constant 128 : i32
        %add3A_65 = arith.addi %mul3A_28, %add3A_64 : i32
        %get3A_66 = arith.index_cast %add3A_65 : i32 to index
        %get3A_67 = tpu.vector_load %arg6[%get3A_66] {strides = array<i32>} : memref<25600xf32, #tpu.memory_space<vmem>>, vector<16xf32>,
        %max3A_68 = arith.maximumf %max3A_63, %get3A_67 : vector<16xf32>
        %add3A_69 = arith.constant 144 : i32
        %add3A_70 = arith.addi %mul3A_28, %add3A_69 : i32
        %get3A_71 = arith.index_cast %add3A_70 : i32 to index
        %get3A_72 = tpu.vector_load %arg6[%get3A_71] {strides = array<i32>} : memref<25600xf32, #tpu.memory_space<vmem>>, vector<16xf32>,
        %max3A_73 = arith.maximumf %max3A_68, %get3A_72 : vector<16xf32>
        %add3A_74 = arith.constant 160 : i32
        %add3A_75 = arith.addi %mul3A_28, %add3A_74 : i32
        %get3A_76 = arith.index_cast %add3A_75 : i32 to index
        %get3A_77 = tpu.vector_load %arg6[%get3A_76] {strides = array<i32>} : memref<25600xf32, #tpu.memory_space<vmem>>, vector<16xf32>,
        %max3A_78 = arith.maximumf %max3A_73, %get3A_77 : vector<16xf32>
        %add3A_79 = arith.constant 176 : i32
        %add3A_80 = arith.addi %mul3A_28, %add3A_79 : i32
        %get3A_81 = arith.index_cast %add3A_80 : i32 to index
        %get3A_82 = tpu.vector_load %arg6[%get3A_81] {strides = array<i32>} : memref<25600xf32, #tpu.memory_space<vmem>>, vector<16xf32>,
        %max3A_83 = arith.maximumf %max3A_78, %get3A_82 : vector<16xf32>
        %add3A_84 = arith.constant 192 : i32
        %add3A_85 = arith.addi %mul3A_28, %add3A_84 : i32
        %get3A_86 = arith.index_cast %add3A_85 : i32 to index
        %get3A_87 = tpu.vector_load %arg6[%get3A_86] {strides = array<i32>} : memref<25600xf32, #tpu.memory_space<vmem>>, vector<16xf32>,
        %max3A_88 = arith.maximumf %max3A_83, %get3A_87 : vector<16xf32>
        %add3A_89 = arith.constant 208 : i32
        %add3A_90 = arith.addi %mul3A_28, %add3A_89 : i32
        %get3A_91 = arith.index_cast %add3A_90 : i32 to index
        %get3A_92 = tpu.vector_load %arg6[%get3A_91] {strides = array<i32>} : memref<25600xf32, #tpu.memory_space<vmem>>, vector<16xf32>,
        %max3A_93 = arith.maximumf %max3A_88, %get3A_92 : vector<16xf32>
        %add3A_94 = arith.constant 224 : i32
        %add3A_95 = arith.addi %mul3A_28, %add3A_94 : i32
        %get3A_96 = arith.index_cast %add3A_95 : i32 to index
        %get3A_97 = tpu.vector_load %arg6[%get3A_96] {strides = array<i32>} : memref<25600xf32, #tpu.memory_space<vmem>>, vector<16xf32>,
        %max3A_98 = arith.maximumf %max3A_93, %get3A_97 : vector<16xf32>
        %add3A_99 = arith.constant 240 : i32
        %add3A_100 = arith.addi %mul3A_28, %add3A_99 : i32
        %get3A_101 = arith.index_cast %add3A_100 : i32 to index
        %get3A_102 = tpu.vector_load %arg6[%get3A_101] {strides = array<i32>} : memref<25600xf32, #tpu.memory_space<vmem>>, vector<16xf32>,
        %max3A_103 = arith.maximumf %max3A_98, %get3A_102 : vector<16xf32>
        %reduce_max3A = arith.constant true
        %reduce_max3A_104 = vector.broadcast %reduce_max3A : i1 to vector<16xi1>
        %reduce_max3A_105 = tpu.scan <max>, %max3A_103 masked %reduce_max3A_104 : vector<16xf32>, vector<16xi1> -> vector<16xf32>
        %reduce_max3A_106 = vector.extract %reduce_max3A_105[15] : f32 from vector<16xf32>
        %jit3A_107 = arith.constant 16 : i32
        %div3A = arith.divsi %scan3A_26, %jit3A_107 : i32
        %sign3A = arith.constant 0 : i32
        %sign3A_108 = arith.cmpi sgt, %scan3A_26, %sign3A : i32
        %sign3A_109 = arith.extui %sign3A_108 : i1 to i32
        %sign3A_110 = arith.constant 0 : i32
        %sign3A_111 = arith.cmpi slt, %scan3A_26, %sign3A_110 : i32
        %sign3A_112 = arith.extui %sign3A_111 : i1 to i32
        %sign3A_113 = arith.subi %sign3A_109, %sign3A_112 : i32
        %sign3A_114 = arith.constant 0 : i32
        %sign3A_115 = arith.cmpi sgt, %jit3A_107, %sign3A_114 : i32
        %sign3A_116 = arith.extui %sign3A_115 : i1 to i32
        %sign3A_117 = arith.constant 0 : i32
        %sign3A_118 = arith.cmpi slt, %jit3A_107, %sign3A_117 : i32
        %sign3A_119 = arith.extui %sign3A_118 : i1 to i32
        %sign3A_120 = arith.subi %sign3A_116, %sign3A_119 : i32
        %ne3A = arith.cmpi ne, %sign3A_113, %sign3A_120 : i32
        %rem3A = arith.remsi %scan3A_26, %jit3A_107 : i32
        %ne3A_121 = arith.constant 0 : i32
        %ne3A_122 = arith.cmpi ne, %rem3A, %ne3A_121 : i32
        %and3A = arith.andi %ne3A, %ne3A_122 : i1
        %sub3A = arith.constant 1 : i32
        %sub3A_123 = arith.subi %div3A, %sub3A : i32
        %select_n3A_124 = arith.select %and3A, %sub3A_123, %div3A : i32
        %mul3A_125 = arith.constant 16 : i32
        %mul3A_126 = arith.muli %select_n3A_124, %mul3A_125 : i32
        %get3A_127 = arith.index_cast %mul3A_126 : i32 to index
        %get3A_128 = tpu.vector_load %arg7[%get3A_127] {strides = array<i32>} : memref<112xf32, #tpu.memory_space<vmem>>, vector<16xf32>,
        %sub3A_129 = arith.subi %scan3A_26, %mul3A_126 : i32
        %eq3A = vector.broadcast %sub3A_129 : i32 to vector<16xi32>
        %eq3A_130 = arith.cmpi eq, %iota3A, %eq3A : vector<16xi32>
        %broadcast_in_dim3A_131 = vector.broadcast %reduce_max3A_106 : f32 to vector<16xf32>
        %select_n3A_132 = arith.select %eq3A_130, %broadcast_in_dim3A_131, %get3A_128 : vector<16xi1>, vector<16xf32>
        %swap3A_133 = arith.index_cast %mul3A_126 : i32 to index
        %swap3A_134 = tpu.vector_load %arg7[%swap3A_133] {strides = array<i32>} : memref<112xf32, #tpu.memory_space<vmem>>, vector<16xf32>,
        tpu.vector_store %arg7[%swap3A_133], %select_n3A_132 {strides = array<i32>} : memref<112xf32, #tpu.memory_space<vmem>>, vector<16xf32>,
      }
      %scan3A_13 = arith.constant 100 : i32
      %scan3A_14 = arith.constant 0 : i32
      %scan3A_15 = arith.constant 0 : i32
      %scan3A_16 = arith.constant 128 : i32
      %scan3A_17 = arith.addi %scan3A_15, %scan3A_16 : i32
      %scan3A_18 = arith.constant 1 : i32
      scf.for %scan3A_26 = %scan3A_15 to %scan3A_17 step %scan3A_18  : i32 {
        %get3A = arith.constant 0 : index
        %get3A_27 = tpu.vector_load %arg7[%get3A] {strides = array<i32>} : memref<112xf32, #tpu.memory_space<vmem>>, vector<16xf32>,
        %get3A_28 = arith.constant 16 : index
        %get3A_29 = tpu.vector_load %arg7[%get3A_28] {strides = array<i32>} : memref<112xf32, #tpu.memory_space<vmem>>, vector<16xf32>,
        %max3A = arith.maximumf %get3A_27, %get3A_29 : vector<16xf32>
        %get3A_30 = arith.constant 32 : index
        %get3A_31 = tpu.vector_load %arg7[%get3A_30] {strides = array<i32>} : memref<112xf32, #tpu.memory_space<vmem>>, vector<16xf32>,
        %max3A_32 = arith.maximumf %max3A, %get3A_31 : vector<16xf32>
        %get3A_33 = arith.constant 48 : index
        %get3A_34 = tpu.vector_load %arg7[%get3A_33] {strides = array<i32>} : memref<112xf32, #tpu.memory_space<vmem>>, vector<16xf32>,
        %max3A_35 = arith.maximumf %max3A_32, %get3A_34 : vector<16xf32>
        %get3A_36 = arith.constant 64 : index
        %get3A_37 = tpu.vector_load %arg7[%get3A_36] {strides = array<i32>} : memref<112xf32, #tpu.memory_space<vmem>>, vector<16xf32>,
        %max3A_38 = arith.maximumf %max3A_35, %get3A_37 : vector<16xf32>
        %get3A_39 = arith.constant 80 : index
        %get3A_40 = tpu.vector_load %arg7[%get3A_39] {strides = array<i32>} : memref<112xf32, #tpu.memory_space<vmem>>, vector<16xf32>,
        %max3A_41 = arith.maximumf %max3A_38, %get3A_40 : vector<16xf32>
        %get3A_42 = arith.constant 96 : index
        %get3A_43 = tpu.vector_load %arg7[%get3A_42] {strides = array<i32>} : memref<112xf32, #tpu.memory_space<vmem>>, vector<16xf32>,
        %max3A_44 = arith.maximumf %max3A_41, %get3A_43 : vector<16xf32>
        %reduce_max3A = arith.constant true
        %reduce_max3A_45 = vector.broadcast %reduce_max3A : i1 to vector<16xi1>
        %reduce_max3A_46 = tpu.scan <max>, %max3A_44 masked %reduce_max3A_45 : vector<16xf32>, vector<16xi1> -> vector<16xf32>
        %reduce_max3A_47 = vector.extract %reduce_max3A_46[15] : f32 from vector<16xf32>
        %get3A_48 = arith.constant 0 : index
        %get3A_49 = tpu.vector_load %arg7[%get3A_48] {strides = array<i32>} : memref<112xf32, #tpu.memory_space<vmem>>, vector<16xf32>,
        %eq3A = vector.broadcast %reduce_max3A_47 : f32 to vector<16xf32>
        %eq3A_50 = arith.cmpf oeq, %get3A_49, %eq3A : vector<16xf32>
        %add3A_51 = arith.constant 0 : i32
        %add3A_52 = vector.broadcast %add3A_51 : i32 to vector<16xi32>
        %add3A_53 = arith.addi %iota3A, %add3A_52 : vector<16xi32>
        %jit3A_54 = arith.constant 1073741824 : i32
        %broadcast_in_dim3A_55 = vector.broadcast %jit3A_54 : i32 to vector<16xi32>
        %select_n3A_56 = arith.select %eq3A_50, %add3A_53, %broadcast_in_dim3A_55 : vector<16xi1>, vector<16xi32>
        %reduce_min3A = arith.constant true
        %reduce_min3A_57 = vector.broadcast %reduce_min3A : i1 to vector<16xi1>
        %reduce_min3A_58 = arith.constant -2147483648 : i32
        %reduce_min3A_59 = vector.broadcast %reduce_min3A_58 : i32 to vector<16xi32>
        %reduce_min3A_60 = arith.xori %select_n3A_56, %reduce_min3A_59 : vector<16xi32>
        %reduce_min3A_61 = tpu.scan <min>, %reduce_min3A_60 masked %reduce_min3A_57 : vector<16xi32>, vector<16xi1> -> vector<16xi32>
        %reduce_min3A_62 = arith.xori %reduce_min3A_61, %reduce_min3A_59 : vector<16xi32>
        %reduce_min3A_63 = vector.extract %reduce_min3A_62[15] : i32 from vector<16xi32>
        %min3A = arith.constant 1073741824 : i32
        %min3A_64 = arith.minsi %min3A, %reduce_min3A_63 : i32
        %get3A_65 = arith.constant 16 : index
        %get3A_66 = tpu.vector_load %arg7[%get3A_65] {strides = array<i32>} : memref<112xf32, #tpu.memory_space<vmem>>, vector<16xf32>,
        %eq3A_67 = vector.broadcast %reduce_max3A_47 : f32 to vector<16xf32>
        %eq3A_68 = arith.cmpf oeq, %get3A_66, %eq3A_67 : vector<16xf32>
        %add3A_69 = arith.constant 16 : i32
        %add3A_70 = vector.broadcast %add3A_69 : i32 to vector<16xi32>
        %add3A_71 = arith.addi %iota3A, %add3A_70 : vector<16xi32>
        %jit3A_72 = arith.constant 1073741824 : i32
        %broadcast_in_dim3A_73 = vector.broadcast %jit3A_72 : i32 to vector<16xi32>
        %select_n3A_74 = arith.select %eq3A_68, %add3A_71, %broadcast_in_dim3A_73 : vector<16xi1>, vector<16xi32>
        %reduce_min3A_75 = arith.constant true
        %reduce_min3A_76 = vector.broadcast %reduce_min3A_75 : i1 to vector<16xi1>
        %reduce_min3A_77 = arith.constant -2147483648 : i32
        %reduce_min3A_78 = vector.broadcast %reduce_min3A_77 : i32 to vector<16xi32>
        %reduce_min3A_79 = arith.xori %select_n3A_74, %reduce_min3A_78 : vector<16xi32>
        %reduce_min3A_80 = tpu.scan <min>, %reduce_min3A_79 masked %reduce_min3A_76 : vector<16xi32>, vector<16xi1> -> vector<16xi32>
        %reduce_min3A_81 = arith.xori %reduce_min3A_80, %reduce_min3A_78 : vector<16xi32>
        %reduce_min3A_82 = vector.extract %reduce_min3A_81[15] : i32 from vector<16xi32>
        %min3A_83 = arith.minsi %min3A_64, %reduce_min3A_82 : i32
        %get3A_84 = arith.constant 32 : index
        %get3A_85 = tpu.vector_load %arg7[%get3A_84] {strides = array<i32>} : memref<112xf32, #tpu.memory_space<vmem>>, vector<16xf32>,
        %eq3A_86 = vector.broadcast %reduce_max3A_47 : f32 to vector<16xf32>
        %eq3A_87 = arith.cmpf oeq, %get3A_85, %eq3A_86 : vector<16xf32>
        %add3A_88 = arith.constant 32 : i32
        %add3A_89 = vector.broadcast %add3A_88 : i32 to vector<16xi32>
        %add3A_90 = arith.addi %iota3A, %add3A_89 : vector<16xi32>
        %jit3A_91 = arith.constant 1073741824 : i32
        %broadcast_in_dim3A_92 = vector.broadcast %jit3A_91 : i32 to vector<16xi32>
        %select_n3A_93 = arith.select %eq3A_87, %add3A_90, %broadcast_in_dim3A_92 : vector<16xi1>, vector<16xi32>
        %reduce_min3A_94 = arith.constant true
        %reduce_min3A_95 = vector.broadcast %reduce_min3A_94 : i1 to vector<16xi1>
        %reduce_min3A_96 = arith.constant -2147483648 : i32
        %reduce_min3A_97 = vector.broadcast %reduce_min3A_96 : i32 to vector<16xi32>
        %reduce_min3A_98 = arith.xori %select_n3A_93, %reduce_min3A_97 : vector<16xi32>
        %reduce_min3A_99 = tpu.scan <min>, %reduce_min3A_98 masked %reduce_min3A_95 : vector<16xi32>, vector<16xi1> -> vector<16xi32>
        %reduce_min3A_100 = arith.xori %reduce_min3A_99, %reduce_min3A_97 : vector<16xi32>
        %reduce_min3A_101 = vector.extract %reduce_min3A_100[15] : i32 from vector<16xi32>
        %min3A_102 = arith.minsi %min3A_83, %reduce_min3A_101 : i32
        %get3A_103 = arith.constant 48 : index
        %get3A_104 = tpu.vector_load %arg7[%get3A_103] {strides = array<i32>} : memref<112xf32, #tpu.memory_space<vmem>>, vector<16xf32>,
        %eq3A_105 = vector.broadcast %reduce_max3A_47 : f32 to vector<16xf32>
        %eq3A_106 = arith.cmpf oeq, %get3A_104, %eq3A_105 : vector<16xf32>
        %add3A_107 = arith.constant 48 : i32
        %add3A_108 = vector.broadcast %add3A_107 : i32 to vector<16xi32>
        %add3A_109 = arith.addi %iota3A, %add3A_108 : vector<16xi32>
        %jit3A_110 = arith.constant 1073741824 : i32
        %broadcast_in_dim3A_111 = vector.broadcast %jit3A_110 : i32 to vector<16xi32>
        %select_n3A_112 = arith.select %eq3A_106, %add3A_109, %broadcast_in_dim3A_111 : vector<16xi1>, vector<16xi32>
        %reduce_min3A_113 = arith.constant true
        %reduce_min3A_114 = vector.broadcast %reduce_min3A_113 : i1 to vector<16xi1>
        %reduce_min3A_115 = arith.constant -2147483648 : i32
        %reduce_min3A_116 = vector.broadcast %reduce_min3A_115 : i32 to vector<16xi32>
        %reduce_min3A_117 = arith.xori %select_n3A_112, %reduce_min3A_116 : vector<16xi32>
        %reduce_min3A_118 = tpu.scan <min>, %reduce_min3A_117 masked %reduce_min3A_114 : vector<16xi32>, vector<16xi1> -> vector<16xi32>
        %reduce_min3A_119 = arith.xori %reduce_min3A_118, %reduce_min3A_116 : vector<16xi32>
        %reduce_min3A_120 = vector.extract %reduce_min3A_119[15] : i32 from vector<16xi32>
        %min3A_121 = arith.minsi %min3A_102, %reduce_min3A_120 : i32
        %get3A_122 = arith.constant 64 : index
        %get3A_123 = tpu.vector_load %arg7[%get3A_122] {strides = array<i32>} : memref<112xf32, #tpu.memory_space<vmem>>, vector<16xf32>,
        %eq3A_124 = vector.broadcast %reduce_max3A_47 : f32 to vector<16xf32>
        %eq3A_125 = arith.cmpf oeq, %get3A_123, %eq3A_124 : vector<16xf32>
        %add3A_126 = arith.constant 64 : i32
        %add3A_127 = vector.broadcast %add3A_126 : i32 to vector<16xi32>
        %add3A_128 = arith.addi %iota3A, %add3A_127 : vector<16xi32>
        %jit3A_129 = arith.constant 1073741824 : i32
        %broadcast_in_dim3A_130 = vector.broadcast %jit3A_129 : i32 to vector<16xi32>
        %select_n3A_131 = arith.select %eq3A_125, %add3A_128, %broadcast_in_dim3A_130 : vector<16xi1>, vector<16xi32>
        %reduce_min3A_132 = arith.constant true
        %reduce_min3A_133 = vector.broadcast %reduce_min3A_132 : i1 to vector<16xi1>
        %reduce_min3A_134 = arith.constant -2147483648 : i32
        %reduce_min3A_135 = vector.broadcast %reduce_min3A_134 : i32 to vector<16xi32>
        %reduce_min3A_136 = arith.xori %select_n3A_131, %reduce_min3A_135 : vector<16xi32>
        %reduce_min3A_137 = tpu.scan <min>, %reduce_min3A_136 masked %reduce_min3A_133 : vector<16xi32>, vector<16xi1> -> vector<16xi32>
        %reduce_min3A_138 = arith.xori %reduce_min3A_137, %reduce_min3A_135 : vector<16xi32>
        %reduce_min3A_139 = vector.extract %reduce_min3A_138[15] : i32 from vector<16xi32>
        %min3A_140 = arith.minsi %min3A_121, %reduce_min3A_139 : i32
        %get3A_141 = arith.constant 80 : index
        %get3A_142 = tpu.vector_load %arg7[%get3A_141] {strides = array<i32>} : memref<112xf32, #tpu.memory_space<vmem>>, vector<16xf32>,
        %eq3A_143 = vector.broadcast %reduce_max3A_47 : f32 to vector<16xf32>
        %eq3A_144 = arith.cmpf oeq, %get3A_142, %eq3A_143 : vector<16xf32>
        %add3A_145 = arith.constant 80 : i32
        %add3A_146 = vector.broadcast %add3A_145 : i32 to vector<16xi32>
        %add3A_147 = arith.addi %iota3A, %add3A_146 : vector<16xi32>
        %jit3A_148 = arith.constant 1073741824 : i32
        %broadcast_in_dim3A_149 = vector.broadcast %jit3A_148 : i32 to vector<16xi32>
        %select_n3A_150 = arith.select %eq3A_144, %add3A_147, %broadcast_in_dim3A_149 : vector<16xi1>, vector<16xi32>
        %reduce_min3A_151 = arith.constant true
        %reduce_min3A_152 = vector.broadcast %reduce_min3A_151 : i1 to vector<16xi1>
        %reduce_min3A_153 = arith.constant -2147483648 : i32
        %reduce_min3A_154 = vector.broadcast %reduce_min3A_153 : i32 to vector<16xi32>
        %reduce_min3A_155 = arith.xori %select_n3A_150, %reduce_min3A_154 : vector<16xi32>
        %reduce_min3A_156 = tpu.scan <min>, %reduce_min3A_155 masked %reduce_min3A_152 : vector<16xi32>, vector<16xi1> -> vector<16xi32>
        %reduce_min3A_157 = arith.xori %reduce_min3A_156, %reduce_min3A_154 : vector<16xi32>
        %reduce_min3A_158 = vector.extract %reduce_min3A_157[15] : i32 from vector<16xi32>
        %min3A_159 = arith.minsi %min3A_140, %reduce_min3A_158 : i32
        %get3A_160 = arith.constant 96 : index
        %get3A_161 = tpu.vector_load %arg7[%get3A_160] {strides = array<i32>} : memref<112xf32, #tpu.memory_space<vmem>>, vector<16xf32>,
        %eq3A_162 = vector.broadcast %reduce_max3A_47 : f32 to vector<16xf32>
        %eq3A_163 = arith.cmpf oeq, %get3A_161, %eq3A_162 : vector<16xf32>
        %add3A_164 = arith.constant 96 : i32
        %add3A_165 = vector.broadcast %add3A_164 : i32 to vector<16xi32>
        %add3A_166 = arith.addi %iota3A, %add3A_165 : vector<16xi32>
        %jit3A_167 = arith.constant 1073741824 : i32
        %broadcast_in_dim3A_168 = vector.broadcast %jit3A_167 : i32 to vector<16xi32>
        %select_n3A_169 = arith.select %eq3A_163, %add3A_166, %broadcast_in_dim3A_168 : vector<16xi1>, vector<16xi32>
        %reduce_min3A_170 = arith.constant true
        %reduce_min3A_171 = vector.broadcast %reduce_min3A_170 : i1 to vector<16xi1>
        %reduce_min3A_172 = arith.constant -2147483648 : i32
        %reduce_min3A_173 = vector.broadcast %reduce_min3A_172 : i32 to vector<16xi32>
        %reduce_min3A_174 = arith.xori %select_n3A_169, %reduce_min3A_173 : vector<16xi32>
        %reduce_min3A_175 = tpu.scan <min>, %reduce_min3A_174 masked %reduce_min3A_171 : vector<16xi32>, vector<16xi1> -> vector<16xi32>
        %reduce_min3A_176 = arith.xori %reduce_min3A_175, %reduce_min3A_173 : vector<16xi32>
        %reduce_min3A_177 = vector.extract %reduce_min3A_176[15] : i32 from vector<16xi32>
        %min3A_178 = arith.minsi %min3A_159, %reduce_min3A_177 : i32
        %mul3A_179 = arith.constant 256 : i32
        %mul3A_180 = arith.muli %min3A_178, %mul3A_179 : i32
        %add3A_181 = arith.constant 0 : i32
        %add3A_182 = arith.addi %mul3A_180, %add3A_181 : i32
        %get3A_183 = arith.index_cast %add3A_182 : i32 to index
        %get3A_184 = tpu.vector_load %arg6[%get3A_183] {strides = array<i32>} : memref<25600xf32, #tpu.memory_space<vmem>>, vector<16xf32>,
        %eq3A_185 = vector.broadcast %reduce_max3A_47 : f32 to vector<16xf32>
        %eq3A_186 = arith.cmpf oeq, %get3A_184, %eq3A_185 : vector<16xf32>
        %add3A_187 = arith.constant 0 : i32
        %add3A_188 = vector.broadcast %add3A_187 : i32 to vector<16xi32>
        %add3A_189 = arith.addi %iota3A, %add3A_188 : vector<16xi32>
        %jit3A_190 = arith.constant 1073741824 : i32
        %broadcast_in_dim3A_191 = vector.broadcast %jit3A_190 : i32 to vector<16xi32>
        %select_n3A_192 = arith.select %eq3A_186, %add3A_189, %broadcast_in_dim3A_191 : vector<16xi1>, vector<16xi32>
        %reduce_min3A_193 = arith.constant true
        %reduce_min3A_194 = vector.broadcast %reduce_min3A_193 : i1 to vector<16xi1>
        %reduce_min3A_195 = arith.constant -2147483648 : i32
        %reduce_min3A_196 = vector.broadcast %reduce_min3A_195 : i32 to vector<16xi32>
        %reduce_min3A_197 = arith.xori %select_n3A_192, %reduce_min3A_196 : vector<16xi32>
        %reduce_min3A_198 = tpu.scan <min>, %reduce_min3A_197 masked %reduce_min3A_194 : vector<16xi32>, vector<16xi1> -> vector<16xi32>
        %reduce_min3A_199 = arith.xori %reduce_min3A_198, %reduce_min3A_196 : vector<16xi32>
        %reduce_min3A_200 = vector.extract %reduce_min3A_199[15] : i32 from vector<16xi32>
        %min3A_201 = arith.constant 1073741824 : i32
        %min3A_202 = arith.minsi %min3A_201, %reduce_min3A_200 : i32
        %add3A_203 = arith.constant 16 : i32
        %add3A_204 = arith.addi %mul3A_180, %add3A_203 : i32
        %get3A_205 = arith.index_cast %add3A_204 : i32 to index
        %get3A_206 = tpu.vector_load %arg6[%get3A_205] {strides = array<i32>} : memref<25600xf32, #tpu.memory_space<vmem>>, vector<16xf32>,
        %eq3A_207 = vector.broadcast %reduce_max3A_47 : f32 to vector<16xf32>
        %eq3A_208 = arith.cmpf oeq, %get3A_206, %eq3A_207 : vector<16xf32>
        %add3A_209 = arith.constant 16 : i32
        %add3A_210 = vector.broadcast %add3A_209 : i32 to vector<16xi32>
        %add3A_211 = arith.addi %iota3A, %add3A_210 : vector<16xi32>
        %jit3A_212 = arith.constant 1073741824 : i32
        %broadcast_in_dim3A_213 = vector.broadcast %jit3A_212 : i32 to vector<16xi32>
        %select_n3A_214 = arith.select %eq3A_208, %add3A_211, %broadcast_in_dim3A_213 : vector<16xi1>, vector<16xi32>
        %reduce_min3A_215 = arith.constant true
        %reduce_min3A_216 = vector.broadcast %reduce_min3A_215 : i1 to vector<16xi1>
        %reduce_min3A_217 = arith.constant -2147483648 : i32
        %reduce_min3A_218 = vector.broadcast %reduce_min3A_217 : i32 to vector<16xi32>
        %reduce_min3A_219 = arith.xori %select_n3A_214, %reduce_min3A_218 : vector<16xi32>
        %reduce_min3A_220 = tpu.scan <min>, %reduce_min3A_219 masked %reduce_min3A_216 : vector<16xi32>, vector<16xi1> -> vector<16xi32>
        %reduce_min3A_221 = arith.xori %reduce_min3A_220, %reduce_min3A_218 : vector<16xi32>
        %reduce_min3A_222 = vector.extract %reduce_min3A_221[15] : i32 from vector<16xi32>
        %min3A_223 = arith.minsi %min3A_202, %reduce_min3A_222 : i32
        %add3A_224 = arith.constant 32 : i32
        %add3A_225 = arith.addi %mul3A_180, %add3A_224 : i32
        %get3A_226 = arith.index_cast %add3A_225 : i32 to index
        %get3A_227 = tpu.vector_load %arg6[%get3A_226] {strides = array<i32>} : memref<25600xf32, #tpu.memory_space<vmem>>, vector<16xf32>,
        %eq3A_228 = vector.broadcast %reduce_max3A_47 : f32 to vector<16xf32>
        %eq3A_229 = arith.cmpf oeq, %get3A_227, %eq3A_228 : vector<16xf32>
        %add3A_230 = arith.constant 32 : i32
        %add3A_231 = vector.broadcast %add3A_230 : i32 to vector<16xi32>
        %add3A_232 = arith.addi %iota3A, %add3A_231 : vector<16xi32>
        %jit3A_233 = arith.constant 1073741824 : i32
        %broadcast_in_dim3A_234 = vector.broadcast %jit3A_233 : i32 to vector<16xi32>
        %select_n3A_235 = arith.select %eq3A_229, %add3A_232, %broadcast_in_dim3A_234 : vector<16xi1>, vector<16xi32>
        %reduce_min3A_236 = arith.constant true
        %reduce_min3A_237 = vector.broadcast %reduce_min3A_236 : i1 to vector<16xi1>
        %reduce_min3A_238 = arith.constant -2147483648 : i32
        %reduce_min3A_239 = vector.broadcast %reduce_min3A_238 : i32 to vector<16xi32>
        %reduce_min3A_240 = arith.xori %select_n3A_235, %reduce_min3A_239 : vector<16xi32>
        %reduce_min3A_241 = tpu.scan <min>, %reduce_min3A_240 masked %reduce_min3A_237 : vector<16xi32>, vector<16xi1> -> vector<16xi32>
        %reduce_min3A_242 = arith.xori %reduce_min3A_241, %reduce_min3A_239 : vector<16xi32>
        %reduce_min3A_243 = vector.extract %reduce_min3A_242[15] : i32 from vector<16xi32>
        %min3A_244 = arith.minsi %min3A_223, %reduce_min3A_243 : i32
        %add3A_245 = arith.constant 48 : i32
        %add3A_246 = arith.addi %mul3A_180, %add3A_245 : i32
        %get3A_247 = arith.index_cast %add3A_246 : i32 to index
        %get3A_248 = tpu.vector_load %arg6[%get3A_247] {strides = array<i32>} : memref<25600xf32, #tpu.memory_space<vmem>>, vector<16xf32>,
        %eq3A_249 = vector.broadcast %reduce_max3A_47 : f32 to vector<16xf32>
        %eq3A_250 = arith.cmpf oeq, %get3A_248, %eq3A_249 : vector<16xf32>
        %add3A_251 = arith.constant 48 : i32
        %add3A_252 = vector.broadcast %add3A_251 : i32 to vector<16xi32>
        %add3A_253 = arith.addi %iota3A, %add3A_252 : vector<16xi32>
        %jit3A_254 = arith.constant 1073741824 : i32
        %broadcast_in_dim3A_255 = vector.broadcast %jit3A_254 : i32 to vector<16xi32>
        %select_n3A_256 = arith.select %eq3A_250, %add3A_253, %broadcast_in_dim3A_255 : vector<16xi1>, vector<16xi32>
        %reduce_min3A_257 = arith.constant true
        %reduce_min3A_258 = vector.broadcast %reduce_min3A_257 : i1 to vector<16xi1>
        %reduce_min3A_259 = arith.constant -2147483648 : i32
        %reduce_min3A_260 = vector.broadcast %reduce_min3A_259 : i32 to vector<16xi32>
        %reduce_min3A_261 = arith.xori %select_n3A_256, %reduce_min3A_260 : vector<16xi32>
        %reduce_min3A_262 = tpu.scan <min>, %reduce_min3A_261 masked %reduce_min3A_258 : vector<16xi32>, vector<16xi1> -> vector<16xi32>
        %reduce_min3A_263 = arith.xori %reduce_min3A_262, %reduce_min3A_260 : vector<16xi32>
        %reduce_min3A_264 = vector.extract %reduce_min3A_263[15] : i32 from vector<16xi32>
        %min3A_265 = arith.minsi %min3A_244, %reduce_min3A_264 : i32
        %add3A_266 = arith.constant 64 : i32
        %add3A_267 = arith.addi %mul3A_180, %add3A_266 : i32
        %get3A_268 = arith.index_cast %add3A_267 : i32 to index
        %get3A_269 = tpu.vector_load %arg6[%get3A_268] {strides = array<i32>} : memref<25600xf32, #tpu.memory_space<vmem>>, vector<16xf32>,
        %eq3A_270 = vector.broadcast %reduce_max3A_47 : f32 to vector<16xf32>
        %eq3A_271 = arith.cmpf oeq, %get3A_269, %eq3A_270 : vector<16xf32>
        %add3A_272 = arith.constant 64 : i32
        %add3A_273 = vector.broadcast %add3A_272 : i32 to vector<16xi32>
        %add3A_274 = arith.addi %iota3A, %add3A_273 : vector<16xi32>
        %jit3A_275 = arith.constant 1073741824 : i32
        %broadcast_in_dim3A_276 = vector.broadcast %jit3A_275 : i32 to vector<16xi32>
        %select_n3A_277 = arith.select %eq3A_271, %add3A_274, %broadcast_in_dim3A_276 : vector<16xi1>, vector<16xi32>
        %reduce_min3A_278 = arith.constant true
        %reduce_min3A_279 = vector.broadcast %reduce_min3A_278 : i1 to vector<16xi1>
        %reduce_min3A_280 = arith.constant -2147483648 : i32
        %reduce_min3A_281 = vector.broadcast %reduce_min3A_280 : i32 to vector<16xi32>
        %reduce_min3A_282 = arith.xori %select_n3A_277, %reduce_min3A_281 : vector<16xi32>
        %reduce_min3A_283 = tpu.scan <min>, %reduce_min3A_282 masked %reduce_min3A_279 : vector<16xi32>, vector<16xi1> -> vector<16xi32>
        %reduce_min3A_284 = arith.xori %reduce_min3A_283, %reduce_min3A_281 : vector<16xi32>
        %reduce_min3A_285 = vector.extract %reduce_min3A_284[15] : i32 from vector<16xi32>
        %min3A_286 = arith.minsi %min3A_265, %reduce_min3A_285 : i32
        %add3A_287 = arith.constant 80 : i32
        %add3A_288 = arith.addi %mul3A_180, %add3A_287 : i32
        %get3A_289 = arith.index_cast %add3A_288 : i32 to index
        %get3A_290 = tpu.vector_load %arg6[%get3A_289] {strides = array<i32>} : memref<25600xf32, #tpu.memory_space<vmem>>, vector<16xf32>,
        %eq3A_291 = vector.broadcast %reduce_max3A_47 : f32 to vector<16xf32>
        %eq3A_292 = arith.cmpf oeq, %get3A_290, %eq3A_291 : vector<16xf32>
        %add3A_293 = arith.constant 80 : i32
        %add3A_294 = vector.broadcast %add3A_293 : i32 to vector<16xi32>
        %add3A_295 = arith.addi %iota3A, %add3A_294 : vector<16xi32>
        %jit3A_296 = arith.constant 1073741824 : i32
        %broadcast_in_dim3A_297 = vector.broadcast %jit3A_296 : i32 to vector<16xi32>
        %select_n3A_298 = arith.select %eq3A_292, %add3A_295, %broadcast_in_dim3A_297 : vector<16xi1>, vector<16xi32>
        %reduce_min3A_299 = arith.constant true
        %reduce_min3A_300 = vector.broadcast %reduce_min3A_299 : i1 to vector<16xi1>
        %reduce_min3A_301 = arith.constant -2147483648 : i32
        %reduce_min3A_302 = vector.broadcast %reduce_min3A_301 : i32 to vector<16xi32>
        %reduce_min3A_303 = arith.xori %select_n3A_298, %reduce_min3A_302 : vector<16xi32>
        %reduce_min3A_304 = tpu.scan <min>, %reduce_min3A_303 masked %reduce_min3A_300 : vector<16xi32>, vector<16xi1> -> vector<16xi32>
        %reduce_min3A_305 = arith.xori %reduce_min3A_304, %reduce_min3A_302 : vector<16xi32>
        %reduce_min3A_306 = vector.extract %reduce_min3A_305[15] : i32 from vector<16xi32>
        %min3A_307 = arith.minsi %min3A_286, %reduce_min3A_306 : i32
        %add3A_308 = arith.constant 96 : i32
        %add3A_309 = arith.addi %mul3A_180, %add3A_308 : i32
        %get3A_310 = arith.index_cast %add3A_309 : i32 to index
        %get3A_311 = tpu.vector_load %arg6[%get3A_310] {strides = array<i32>} : memref<25600xf32, #tpu.memory_space<vmem>>, vector<16xf32>,
        %eq3A_312 = vector.broadcast %reduce_max3A_47 : f32 to vector<16xf32>
        %eq3A_313 = arith.cmpf oeq, %get3A_311, %eq3A_312 : vector<16xf32>
        %add3A_314 = arith.constant 96 : i32
        %add3A_315 = vector.broadcast %add3A_314 : i32 to vector<16xi32>
        %add3A_316 = arith.addi %iota3A, %add3A_315 : vector<16xi32>
        %jit3A_317 = arith.constant 1073741824 : i32
        %broadcast_in_dim3A_318 = vector.broadcast %jit3A_317 : i32 to vector<16xi32>
        %select_n3A_319 = arith.select %eq3A_313, %add3A_316, %broadcast_in_dim3A_318 : vector<16xi1>, vector<16xi32>
        %reduce_min3A_320 = arith.constant true
        %reduce_min3A_321 = vector.broadcast %reduce_min3A_320 : i1 to vector<16xi1>
        %reduce_min3A_322 = arith.constant -2147483648 : i32
        %reduce_min3A_323 = vector.broadcast %reduce_min3A_322 : i32 to vector<16xi32>
        %reduce_min3A_324 = arith.xori %select_n3A_319, %reduce_min3A_323 : vector<16xi32>
        %reduce_min3A_325 = tpu.scan <min>, %reduce_min3A_324 masked %reduce_min3A_321 : vector<16xi32>, vector<16xi1> -> vector<16xi32>
        %reduce_min3A_326 = arith.xori %reduce_min3A_325, %reduce_min3A_323 : vector<16xi32>
        %reduce_min3A_327 = vector.extract %reduce_min3A_326[15] : i32 from vector<16xi32>
        %min3A_328 = arith.minsi %min3A_307, %reduce_min3A_327 : i32
        %add3A_329 = arith.constant 112 : i32
        %add3A_330 = arith.addi %mul3A_180, %add3A_329 : i32
        %get3A_331 = arith.index_cast %add3A_330 : i32 to index
        %get3A_332 = tpu.vector_load %arg6[%get3A_331] {strides = array<i32>} : memref<25600xf32, #tpu.memory_space<vmem>>, vector<16xf32>,
        %eq3A_333 = vector.broadcast %reduce_max3A_47 : f32 to vector<16xf32>
        %eq3A_334 = arith.cmpf oeq, %get3A_332, %eq3A_333 : vector<16xf32>
        %add3A_335 = arith.constant 112 : i32
        %add3A_336 = vector.broadcast %add3A_335 : i32 to vector<16xi32>
        %add3A_337 = arith.addi %iota3A, %add3A_336 : vector<16xi32>
        %jit3A_338 = arith.constant 1073741824 : i32
        %broadcast_in_dim3A_339 = vector.broadcast %jit3A_338 : i32 to vector<16xi32>
        %select_n3A_340 = arith.select %eq3A_334, %add3A_337, %broadcast_in_dim3A_339 : vector<16xi1>, vector<16xi32>
        %reduce_min3A_341 = arith.constant true
        %reduce_min3A_342 = vector.broadcast %reduce_min3A_341 : i1 to vector<16xi1>
        %reduce_min3A_343 = arith.constant -2147483648 : i32
        %reduce_min3A_344 = vector.broadcast %reduce_min3A_343 : i32 to vector<16xi32>
        %reduce_min3A_345 = arith.xori %select_n3A_340, %reduce_min3A_344 : vector<16xi32>
        %reduce_min3A_346 = tpu.scan <min>, %reduce_min3A_345 masked %reduce_min3A_342 : vector<16xi32>, vector<16xi1> -> vector<16xi32>
        %reduce_min3A_347 = arith.xori %reduce_min3A_346, %reduce_min3A_344 : vector<16xi32>
        %reduce_min3A_348 = vector.extract %reduce_min3A_347[15] : i32 from vector<16xi32>
        %min3A_349 = arith.minsi %min3A_328, %reduce_min3A_348 : i32
        %add3A_350 = arith.constant 128 : i32
        %add3A_351 = arith.addi %mul3A_180, %add3A_350 : i32
        %get3A_352 = arith.index_cast %add3A_351 : i32 to index
        %get3A_353 = tpu.vector_load %arg6[%get3A_352] {strides = array<i32>} : memref<25600xf32, #tpu.memory_space<vmem>>, vector<16xf32>,
        %eq3A_354 = vector.broadcast %reduce_max3A_47 : f32 to vector<16xf32>
        %eq3A_355 = arith.cmpf oeq, %get3A_353, %eq3A_354 : vector<16xf32>
        %add3A_356 = arith.constant 128 : i32
        %add3A_357 = vector.broadcast %add3A_356 : i32 to vector<16xi32>
        %add3A_358 = arith.addi %iota3A, %add3A_357 : vector<16xi32>
        %jit3A_359 = arith.constant 1073741824 : i32
        %broadcast_in_dim3A_360 = vector.broadcast %jit3A_359 : i32 to vector<16xi32>
        %select_n3A_361 = arith.select %eq3A_355, %add3A_358, %broadcast_in_dim3A_360 : vector<16xi1>, vector<16xi32>
        %reduce_min3A_362 = arith.constant true
        %reduce_min3A_363 = vector.broadcast %reduce_min3A_362 : i1 to vector<16xi1>
        %reduce_min3A_364 = arith.constant -2147483648 : i32
        %reduce_min3A_365 = vector.broadcast %reduce_min3A_364 : i32 to vector<16xi32>
        %reduce_min3A_366 = arith.xori %select_n3A_361, %reduce_min3A_365 : vector<16xi32>
        %reduce_min3A_367 = tpu.scan <min>, %reduce_min3A_366 masked %reduce_min3A_363 : vector<16xi32>, vector<16xi1> -> vector<16xi32>
        %reduce_min3A_368 = arith.xori %reduce_min3A_367, %reduce_min3A_365 : vector<16xi32>
        %reduce_min3A_369 = vector.extract %reduce_min3A_368[15] : i32 from vector<16xi32>
        %min3A_370 = arith.minsi %min3A_349, %reduce_min3A_369 : i32
        %add3A_371 = arith.constant 144 : i32
        %add3A_372 = arith.addi %mul3A_180, %add3A_371 : i32
        %get3A_373 = arith.index_cast %add3A_372 : i32 to index
        %get3A_374 = tpu.vector_load %arg6[%get3A_373] {strides = array<i32>} : memref<25600xf32, #tpu.memory_space<vmem>>, vector<16xf32>,
        %eq3A_375 = vector.broadcast %reduce_max3A_47 : f32 to vector<16xf32>
        %eq3A_376 = arith.cmpf oeq, %get3A_374, %eq3A_375 : vector<16xf32>
        %add3A_377 = arith.constant 144 : i32
        %add3A_378 = vector.broadcast %add3A_377 : i32 to vector<16xi32>
        %add3A_379 = arith.addi %iota3A, %add3A_378 : vector<16xi32>
        %jit3A_380 = arith.constant 1073741824 : i32
        %broadcast_in_dim3A_381 = vector.broadcast %jit3A_380 : i32 to vector<16xi32>
        %select_n3A_382 = arith.select %eq3A_376, %add3A_379, %broadcast_in_dim3A_381 : vector<16xi1>, vector<16xi32>
        %reduce_min3A_383 = arith.constant true
        %reduce_min3A_384 = vector.broadcast %reduce_min3A_383 : i1 to vector<16xi1>
        %reduce_min3A_385 = arith.constant -2147483648 : i32
        %reduce_min3A_386 = vector.broadcast %reduce_min3A_385 : i32 to vector<16xi32>
        %reduce_min3A_387 = arith.xori %select_n3A_382, %reduce_min3A_386 : vector<16xi32>
        %reduce_min3A_388 = tpu.scan <min>, %reduce_min3A_387 masked %reduce_min3A_384 : vector<16xi32>, vector<16xi1> -> vector<16xi32>
        %reduce_min3A_389 = arith.xori %reduce_min3A_388, %reduce_min3A_386 : vector<16xi32>
        %reduce_min3A_390 = vector.extract %reduce_min3A_389[15] : i32 from vector<16xi32>
        %min3A_391 = arith.minsi %min3A_370, %reduce_min3A_390 : i32
        %add3A_392 = arith.constant 160 : i32
        %add3A_393 = arith.addi %mul3A_180, %add3A_392 : i32
        %get3A_394 = arith.index_cast %add3A_393 : i32 to index
        %get3A_395 = tpu.vector_load %arg6[%get3A_394] {strides = array<i32>} : memref<25600xf32, #tpu.memory_space<vmem>>, vector<16xf32>,
        %eq3A_396 = vector.broadcast %reduce_max3A_47 : f32 to vector<16xf32>
        %eq3A_397 = arith.cmpf oeq, %get3A_395, %eq3A_396 : vector<16xf32>
        %add3A_398 = arith.constant 160 : i32
        %add3A_399 = vector.broadcast %add3A_398 : i32 to vector<16xi32>
        %add3A_400 = arith.addi %iota3A, %add3A_399 : vector<16xi32>
        %jit3A_401 = arith.constant 1073741824 : i32
        %broadcast_in_dim3A_402 = vector.broadcast %jit3A_401 : i32 to vector<16xi32>
        %select_n3A_403 = arith.select %eq3A_397, %add3A_400, %broadcast_in_dim3A_402 : vector<16xi1>, vector<16xi32>
        %reduce_min3A_404 = arith.constant true
        %reduce_min3A_405 = vector.broadcast %reduce_min3A_404 : i1 to vector<16xi1>
        %reduce_min3A_406 = arith.constant -2147483648 : i32
        %reduce_min3A_407 = vector.broadcast %reduce_min3A_406 : i32 to vector<16xi32>
        %reduce_min3A_408 = arith.xori %select_n3A_403, %reduce_min3A_407 : vector<16xi32>
        %reduce_min3A_409 = tpu.scan <min>, %reduce_min3A_408 masked %reduce_min3A_405 : vector<16xi32>, vector<16xi1> -> vector<16xi32>
        %reduce_min3A_410 = arith.xori %reduce_min3A_409, %reduce_min3A_407 : vector<16xi32>
        %reduce_min3A_411 = vector.extract %reduce_min3A_410[15] : i32 from vector<16xi32>
        %min3A_412 = arith.minsi %min3A_391, %reduce_min3A_411 : i32
        %add3A_413 = arith.constant 176 : i32
        %add3A_414 = arith.addi %mul3A_180, %add3A_413 : i32
        %get3A_415 = arith.index_cast %add3A_414 : i32 to index
        %get3A_416 = tpu.vector_load %arg6[%get3A_415] {strides = array<i32>} : memref<25600xf32, #tpu.memory_space<vmem>>, vector<16xf32>,
        %eq3A_417 = vector.broadcast %reduce_max3A_47 : f32 to vector<16xf32>
        %eq3A_418 = arith.cmpf oeq, %get3A_416, %eq3A_417 : vector<16xf32>
        %add3A_419 = arith.constant 176 : i32
        %add3A_420 = vector.broadcast %add3A_419 : i32 to vector<16xi32>
        %add3A_421 = arith.addi %iota3A, %add3A_420 : vector<16xi32>
        %jit3A_422 = arith.constant 1073741824 : i32
        %broadcast_in_dim3A_423 = vector.broadcast %jit3A_422 : i32 to vector<16xi32>
        %select_n3A_424 = arith.select %eq3A_418, %add3A_421, %broadcast_in_dim3A_423 : vector<16xi1>, vector<16xi32>
        %reduce_min3A_425 = arith.constant true
        %reduce_min3A_426 = vector.broadcast %reduce_min3A_425 : i1 to vector<16xi1>
        %reduce_min3A_427 = arith.constant -2147483648 : i32
        %reduce_min3A_428 = vector.broadcast %reduce_min3A_427 : i32 to vector<16xi32>
        %reduce_min3A_429 = arith.xori %select_n3A_424, %reduce_min3A_428 : vector<16xi32>
        %reduce_min3A_430 = tpu.scan <min>, %reduce_min3A_429 masked %reduce_min3A_426 : vector<16xi32>, vector<16xi1> -> vector<16xi32>
        %reduce_min3A_431 = arith.xori %reduce_min3A_430, %reduce_min3A_428 : vector<16xi32>
        %reduce_min3A_432 = vector.extract %reduce_min3A_431[15] : i32 from vector<16xi32>
        %min3A_433 = arith.minsi %min3A_412, %reduce_min3A_432 : i32
        %add3A_434 = arith.constant 192 : i32
        %add3A_435 = arith.addi %mul3A_180, %add3A_434 : i32
        %get3A_436 = arith.index_cast %add3A_435 : i32 to index
        %get3A_437 = tpu.vector_load %arg6[%get3A_436] {strides = array<i32>} : memref<25600xf32, #tpu.memory_space<vmem>>, vector<16xf32>,
        %eq3A_438 = vector.broadcast %reduce_max3A_47 : f32 to vector<16xf32>
        %eq3A_439 = arith.cmpf oeq, %get3A_437, %eq3A_438 : vector<16xf32>
        %add3A_440 = arith.constant 192 : i32
        %add3A_441 = vector.broadcast %add3A_440 : i32 to vector<16xi32>
        %add3A_442 = arith.addi %iota3A, %add3A_441 : vector<16xi32>
        %jit3A_443 = arith.constant 1073741824 : i32
        %broadcast_in_dim3A_444 = vector.broadcast %jit3A_443 : i32 to vector<16xi32>
        %select_n3A_445 = arith.select %eq3A_439, %add3A_442, %broadcast_in_dim3A_444 : vector<16xi1>, vector<16xi32>
        %reduce_min3A_446 = arith.constant true
        %reduce_min3A_447 = vector.broadcast %reduce_min3A_446 : i1 to vector<16xi1>
        %reduce_min3A_448 = arith.constant -2147483648 : i32
        %reduce_min3A_449 = vector.broadcast %reduce_min3A_448 : i32 to vector<16xi32>
        %reduce_min3A_450 = arith.xori %select_n3A_445, %reduce_min3A_449 : vector<16xi32>
        %reduce_min3A_451 = tpu.scan <min>, %reduce_min3A_450 masked %reduce_min3A_447 : vector<16xi32>, vector<16xi1> -> vector<16xi32>
        %reduce_min3A_452 = arith.xori %reduce_min3A_451, %reduce_min3A_449 : vector<16xi32>
        %reduce_min3A_453 = vector.extract %reduce_min3A_452[15] : i32 from vector<16xi32>
        %min3A_454 = arith.minsi %min3A_433, %reduce_min3A_453 : i32
        %add3A_455 = arith.constant 208 : i32
        %add3A_456 = arith.addi %mul3A_180, %add3A_455 : i32
        %get3A_457 = arith.index_cast %add3A_456 : i32 to index
        %get3A_458 = tpu.vector_load %arg6[%get3A_457] {strides = array<i32>} : memref<25600xf32, #tpu.memory_space<vmem>>, vector<16xf32>,
        %eq3A_459 = vector.broadcast %reduce_max3A_47 : f32 to vector<16xf32>
        %eq3A_460 = arith.cmpf oeq, %get3A_458, %eq3A_459 : vector<16xf32>
        %add3A_461 = arith.constant 208 : i32
        %add3A_462 = vector.broadcast %add3A_461 : i32 to vector<16xi32>
        %add3A_463 = arith.addi %iota3A, %add3A_462 : vector<16xi32>
        %jit3A_464 = arith.constant 1073741824 : i32
        %broadcast_in_dim3A_465 = vector.broadcast %jit3A_464 : i32 to vector<16xi32>
        %select_n3A_466 = arith.select %eq3A_460, %add3A_463, %broadcast_in_dim3A_465 : vector<16xi1>, vector<16xi32>
        %reduce_min3A_467 = arith.constant true
        %reduce_min3A_468 = vector.broadcast %reduce_min3A_467 : i1 to vector<16xi1>
        %reduce_min3A_469 = arith.constant -2147483648 : i32
        %reduce_min3A_470 = vector.broadcast %reduce_min3A_469 : i32 to vector<16xi32>
        %reduce_min3A_471 = arith.xori %select_n3A_466, %reduce_min3A_470 : vector<16xi32>
        %reduce_min3A_472 = tpu.scan <min>, %reduce_min3A_471 masked %reduce_min3A_468 : vector<16xi32>, vector<16xi1> -> vector<16xi32>
        %reduce_min3A_473 = arith.xori %reduce_min3A_472, %reduce_min3A_470 : vector<16xi32>
        %reduce_min3A_474 = vector.extract %reduce_min3A_473[15] : i32 from vector<16xi32>
        %min3A_475 = arith.minsi %min3A_454, %reduce_min3A_474 : i32
        %add3A_476 = arith.constant 224 : i32
        %add3A_477 = arith.addi %mul3A_180, %add3A_476 : i32
        %get3A_478 = arith.index_cast %add3A_477 : i32 to index
        %get3A_479 = tpu.vector_load %arg6[%get3A_478] {strides = array<i32>} : memref<25600xf32, #tpu.memory_space<vmem>>, vector<16xf32>,
        %eq3A_480 = vector.broadcast %reduce_max3A_47 : f32 to vector<16xf32>
        %eq3A_481 = arith.cmpf oeq, %get3A_479, %eq3A_480 : vector<16xf32>
        %add3A_482 = arith.constant 224 : i32
        %add3A_483 = vector.broadcast %add3A_482 : i32 to vector<16xi32>
        %add3A_484 = arith.addi %iota3A, %add3A_483 : vector<16xi32>
        %jit3A_485 = arith.constant 1073741824 : i32
        %broadcast_in_dim3A_486 = vector.broadcast %jit3A_485 : i32 to vector<16xi32>
        %select_n3A_487 = arith.select %eq3A_481, %add3A_484, %broadcast_in_dim3A_486 : vector<16xi1>, vector<16xi32>
        %reduce_min3A_488 = arith.constant true
        %reduce_min3A_489 = vector.broadcast %reduce_min3A_488 : i1 to vector<16xi1>
        %reduce_min3A_490 = arith.constant -2147483648 : i32
        %reduce_min3A_491 = vector.broadcast %reduce_min3A_490 : i32 to vector<16xi32>
        %reduce_min3A_492 = arith.xori %select_n3A_487, %reduce_min3A_491 : vector<16xi32>
        %reduce_min3A_493 = tpu.scan <min>, %reduce_min3A_492 masked %reduce_min3A_489 : vector<16xi32>, vector<16xi1> -> vector<16xi32>
        %reduce_min3A_494 = arith.xori %reduce_min3A_493, %reduce_min3A_491 : vector<16xi32>
        %reduce_min3A_495 = vector.extract %reduce_min3A_494[15] : i32 from vector<16xi32>
        %min3A_496 = arith.minsi %min3A_475, %reduce_min3A_495 : i32
        %add3A_497 = arith.constant 240 : i32
        %add3A_498 = arith.addi %mul3A_180, %add3A_497 : i32
        %get3A_499 = arith.index_cast %add3A_498 : i32 to index
        %get3A_500 = tpu.vector_load %arg6[%get3A_499] {strides = array<i32>} : memref<25600xf32, #tpu.memory_space<vmem>>, vector<16xf32>,
        %eq3A_501 = vector.broadcast %reduce_max3A_47 : f32 to vector<16xf32>
        %eq3A_502 = arith.cmpf oeq, %get3A_500, %eq3A_501 : vector<16xf32>
        %add3A_503 = arith.constant 240 : i32
        %add3A_504 = vector.broadcast %add3A_503 : i32 to vector<16xi32>
        %add3A_505 = arith.addi %iota3A, %add3A_504 : vector<16xi32>
        %jit3A_506 = arith.constant 1073741824 : i32
        %broadcast_in_dim3A_507 = vector.broadcast %jit3A_506 : i32 to vector<16xi32>
        %select_n3A_508 = arith.select %eq3A_502, %add3A_505, %broadcast_in_dim3A_507 : vector<16xi1>, vector<16xi32>
        %reduce_min3A_509 = arith.constant true
        %reduce_min3A_510 = vector.broadcast %reduce_min3A_509 : i1 to vector<16xi1>
        %reduce_min3A_511 = arith.constant -2147483648 : i32
        %reduce_min3A_512 = vector.broadcast %reduce_min3A_511 : i32 to vector<16xi32>
        %reduce_min3A_513 = arith.xori %select_n3A_508, %reduce_min3A_512 : vector<16xi32>
        %reduce_min3A_514 = tpu.scan <min>, %reduce_min3A_513 masked %reduce_min3A_510 : vector<16xi32>, vector<16xi1> -> vector<16xi32>
        %reduce_min3A_515 = arith.xori %reduce_min3A_514, %reduce_min3A_512 : vector<16xi32>
        %reduce_min3A_516 = vector.extract %reduce_min3A_515[15] : i32 from vector<16xi32>
        %min3A_517 = arith.minsi %min3A_496, %reduce_min3A_516 : i32
        %add3A_518 = arith.addi %mul3A_180, %min3A_517 : i32
        %jit3A_519 = arith.constant 16 : i32
        %div3A = arith.divsi %scan3A_26, %jit3A_519 : i32
        %sign3A = arith.constant 0 : i32
        %sign3A_520 = arith.cmpi sgt, %scan3A_26, %sign3A : i32
        %sign3A_521 = arith.extui %sign3A_520 : i1 to i32
        %sign3A_522 = arith.constant 0 : i32
        %sign3A_523 = arith.cmpi slt, %scan3A_26, %sign3A_522 : i32
        %sign3A_524 = arith.extui %sign3A_523 : i1 to i32
        %sign3A_525 = arith.subi %sign3A_521, %sign3A_524 : i32
        %sign3A_526 = arith.constant 0 : i32
        %sign3A_527 = arith.cmpi sgt, %jit3A_519, %sign3A_526 : i32
        %sign3A_528 = arith.extui %sign3A_527 : i1 to i32
        %sign3A_529 = arith.constant 0 : i32
        %sign3A_530 = arith.cmpi slt, %jit3A_519, %sign3A_529 : i32
        %sign3A_531 = arith.extui %sign3A_530 : i1 to i32
        %sign3A_532 = arith.subi %sign3A_528, %sign3A_531 : i32
        %ne3A = arith.cmpi ne, %sign3A_525, %sign3A_532 : i32
        %rem3A = arith.remsi %scan3A_26, %jit3A_519 : i32
        %ne3A_533 = arith.constant 0 : i32
        %ne3A_534 = arith.cmpi ne, %rem3A, %ne3A_533 : i32
        %and3A = arith.andi %ne3A, %ne3A_534 : i1
        %sub3A = arith.constant 1 : i32
        %sub3A_535 = arith.subi %div3A, %sub3A : i32
        %select_n3A_536 = arith.select %and3A, %sub3A_535, %div3A : i32
        %mul3A_537 = arith.constant 16 : i32
        %mul3A_538 = arith.muli %select_n3A_536, %mul3A_537 : i32
        %get3A_539 = arith.index_cast %mul3A_538 : i32 to index
        %get3A_540 = tpu.vector_load %arg8[%get3A_539] {strides = array<i32>} : memref<128xi32, #tpu.memory_space<vmem>>, vector<16xi32>,
        %sub3A_541 = arith.subi %scan3A_26, %mul3A_538 : i32
        %eq3A_542 = vector.broadcast %sub3A_541 : i32 to vector<16xi32>
        %eq3A_543 = arith.cmpi eq, %iota3A, %eq3A_542 : vector<16xi32>
        %broadcast_in_dim3A_544 = vector.broadcast %add3A_518 : i32 to vector<16xi32>
        %select_n3A_545 = arith.select %eq3A_543, %broadcast_in_dim3A_544, %get3A_540 : vector<16xi1>, vector<16xi32>
        %swap3A_546 = arith.index_cast %mul3A_538 : i32 to index
        %swap3A_547 = tpu.vector_load %arg8[%swap3A_546] {strides = array<i32>} : memref<128xi32, #tpu.memory_space<vmem>>, vector<16xi32>,
        tpu.vector_store %arg8[%swap3A_546], %select_n3A_545 {strides = array<i32>} : memref<128xi32, #tpu.memory_space<vmem>>, vector<16xi32>,
        %jit3A_548 = arith.constant 16 : i32
        %div3A_549 = arith.divsi %add3A_518, %jit3A_548 : i32
        %sign3A_550 = arith.constant 0 : i32
        %sign3A_551 = arith.cmpi sgt, %add3A_518, %sign3A_550 : i32
        %sign3A_552 = arith.extui %sign3A_551 : i1 to i32
        %sign3A_553 = arith.constant 0 : i32
        %sign3A_554 = arith.cmpi slt, %add3A_518, %sign3A_553 : i32
        %sign3A_555 = arith.extui %sign3A_554 : i1 to i32
        %sign3A_556 = arith.subi %sign3A_552, %sign3A_555 : i32
        %sign3A_557 = arith.constant 0 : i32
        %sign3A_558 = arith.cmpi sgt, %jit3A_548, %sign3A_557 : i32
        %sign3A_559 = arith.extui %sign3A_558 : i1 to i32
        %sign3A_560 = arith.constant 0 : i32
        %sign3A_561 = arith.cmpi slt, %jit3A_548, %sign3A_560 : i32
        %sign3A_562 = arith.extui %sign3A_561 : i1 to i32
        %sign3A_563 = arith.subi %sign3A_559, %sign3A_562 : i32
        %ne3A_564 = arith.cmpi ne, %sign3A_556, %sign3A_563 : i32
        %rem3A_565 = arith.remsi %add3A_518, %jit3A_548 : i32
        %ne3A_566 = arith.constant 0 : i32
        %ne3A_567 = arith.cmpi ne, %rem3A_565, %ne3A_566 : i32
        %and3A_568 = arith.andi %ne3A_564, %ne3A_567 : i1
        %sub3A_569 = arith.constant 1 : i32
        %sub3A_570 = arith.subi %div3A_549, %sub3A_569 : i32
        %select_n3A_571 = arith.select %and3A_568, %sub3A_570, %div3A_549 : i32
        %mul3A_572 = arith.constant 16 : i32
        %mul3A_573 = arith.muli %select_n3A_571, %mul3A_572 : i32
        %get3A_574 = arith.index_cast %mul3A_573 : i32 to index
        %get3A_575 = tpu.vector_load %arg6[%get3A_574] {strides = array<i32>} : memref<25600xf32, #tpu.memory_space<vmem>>, vector<16xf32>,
        %sub3A_576 = arith.subi %add3A_518, %mul3A_573 : i32
        %eq3A_577 = vector.broadcast %sub3A_576 : i32 to vector<16xi32>
        %eq3A_578 = arith.cmpi eq, %iota3A, %eq3A_577 : vector<16xi32>
        %jit3A_579 = arith.constant -1.000000e+00 : f32
        %broadcast_in_dim3A_580 = vector.broadcast %jit3A_579 : f32 to vector<16xf32>
        %select_n3A_581 = arith.select %eq3A_578, %broadcast_in_dim3A_580, %get3A_575 : vector<16xi1>, vector<16xf32>
        %swap3A_582 = arith.index_cast %mul3A_573 : i32 to index
        %swap3A_583 = tpu.vector_load %arg6[%swap3A_582] {strides = array<i32>} : memref<25600xf32, #tpu.memory_space<vmem>>, vector<16xf32>,
        tpu.vector_store %arg6[%swap3A_582], %select_n3A_581 {strides = array<i32>} : memref<25600xf32, #tpu.memory_space<vmem>>, vector<16xf32>,
        %get3A_584 = arith.index_cast %mul3A_180 : i32 to index
        %get3A_585 = tpu.vector_load %arg6[%get3A_584] {strides = array<i32>} : memref<25600xf32, #tpu.memory_space<vmem>>, vector<16xf32>,
        %add3A_586 = arith.constant 16 : i32
        %add3A_587 = arith.addi %mul3A_180, %add3A_586 : i32
        %get3A_588 = arith.index_cast %add3A_587 : i32 to index
        %get3A_589 = tpu.vector_load %arg6[%get3A_588] {strides = array<i32>} : memref<25600xf32, #tpu.memory_space<vmem>>, vector<16xf32>,
        %max3A_590 = arith.maximumf %get3A_585, %get3A_589 : vector<16xf32>
        %add3A_591 = arith.constant 32 : i32
        %add3A_592 = arith.addi %mul3A_180, %add3A_591 : i32
        %get3A_593 = arith.index_cast %add3A_592 : i32 to index
        %get3A_594 = tpu.vector_load %arg6[%get3A_593] {strides = array<i32>} : memref<25600xf32, #tpu.memory_space<vmem>>, vector<16xf32>,
        %max3A_595 = arith.maximumf %max3A_590, %get3A_594 : vector<16xf32>
        %add3A_596 = arith.constant 48 : i32
        %add3A_597 = arith.addi %mul3A_180, %add3A_596 : i32
        %get3A_598 = arith.index_cast %add3A_597 : i32 to index
        %get3A_599 = tpu.vector_load %arg6[%get3A_598] {strides = array<i32>} : memref<25600xf32, #tpu.memory_space<vmem>>, vector<16xf32>,
        %max3A_600 = arith.maximumf %max3A_595, %get3A_599 : vector<16xf32>
        %add3A_601 = arith.constant 64 : i32
        %add3A_602 = arith.addi %mul3A_180, %add3A_601 : i32
        %get3A_603 = arith.index_cast %add3A_602 : i32 to index
        %get3A_604 = tpu.vector_load %arg6[%get3A_603] {strides = array<i32>} : memref<25600xf32, #tpu.memory_space<vmem>>, vector<16xf32>,
        %max3A_605 = arith.maximumf %max3A_600, %get3A_604 : vector<16xf32>
        %add3A_606 = arith.constant 80 : i32
        %add3A_607 = arith.addi %mul3A_180, %add3A_606 : i32
        %get3A_608 = arith.index_cast %add3A_607 : i32 to index
        %get3A_609 = tpu.vector_load %arg6[%get3A_608] {strides = array<i32>} : memref<25600xf32, #tpu.memory_space<vmem>>, vector<16xf32>,
        %max3A_610 = arith.maximumf %max3A_605, %get3A_609 : vector<16xf32>
        %add3A_611 = arith.constant 96 : i32
        %add3A_612 = arith.addi %mul3A_180, %add3A_611 : i32
        %get3A_613 = arith.index_cast %add3A_612 : i32 to index
        %get3A_614 = tpu.vector_load %arg6[%get3A_613] {strides = array<i32>} : memref<25600xf32, #tpu.memory_space<vmem>>, vector<16xf32>,
        %max3A_615 = arith.maximumf %max3A_610, %get3A_614 : vector<16xf32>
        %add3A_616 = arith.constant 112 : i32
        %add3A_617 = arith.addi %mul3A_180, %add3A_616 : i32
        %get3A_618 = arith.index_cast %add3A_617 : i32 to index
        %get3A_619 = tpu.vector_load %arg6[%get3A_618] {strides = array<i32>} : memref<25600xf32, #tpu.memory_space<vmem>>, vector<16xf32>,
        %max3A_620 = arith.maximumf %max3A_615, %get3A_619 : vector<16xf32>
        %add3A_621 = arith.constant 128 : i32
        %add3A_622 = arith.addi %mul3A_180, %add3A_621 : i32
        %get3A_623 = arith.index_cast %add3A_622 : i32 to index
        %get3A_624 = tpu.vector_load %arg6[%get3A_623] {strides = array<i32>} : memref<25600xf32, #tpu.memory_space<vmem>>, vector<16xf32>,
        %max3A_625 = arith.maximumf %max3A_620, %get3A_624 : vector<16xf32>
        %add3A_626 = arith.constant 144 : i32
        %add3A_627 = arith.addi %mul3A_180, %add3A_626 : i32
        %get3A_628 = arith.index_cast %add3A_627 : i32 to index
        %get3A_629 = tpu.vector_load %arg6[%get3A_628] {strides = array<i32>} : memref<25600xf32, #tpu.memory_space<vmem>>, vector<16xf32>,
        %max3A_630 = arith.maximumf %max3A_625, %get3A_629 : vector<16xf32>
        %add3A_631 = arith.constant 160 : i32
        %add3A_632 = arith.addi %mul3A_180, %add3A_631 : i32
        %get3A_633 = arith.index_cast %add3A_632 : i32 to index
        %get3A_634 = tpu.vector_load %arg6[%get3A_633] {strides = array<i32>} : memref<25600xf32, #tpu.memory_space<vmem>>, vector<16xf32>,
        %max3A_635 = arith.maximumf %max3A_630, %get3A_634 : vector<16xf32>
        %add3A_636 = arith.constant 176 : i32
        %add3A_637 = arith.addi %mul3A_180, %add3A_636 : i32
        %get3A_638 = arith.index_cast %add3A_637 : i32 to index
        %get3A_639 = tpu.vector_load %arg6[%get3A_638] {strides = array<i32>} : memref<25600xf32, #tpu.memory_space<vmem>>, vector<16xf32>,
        %max3A_640 = arith.maximumf %max3A_635, %get3A_639 : vector<16xf32>
        %add3A_641 = arith.constant 192 : i32
        %add3A_642 = arith.addi %mul3A_180, %add3A_641 : i32
        %get3A_643 = arith.index_cast %add3A_642 : i32 to index
        %get3A_644 = tpu.vector_load %arg6[%get3A_643] {strides = array<i32>} : memref<25600xf32, #tpu.memory_space<vmem>>, vector<16xf32>,
        %max3A_645 = arith.maximumf %max3A_640, %get3A_644 : vector<16xf32>
        %add3A_646 = arith.constant 208 : i32
        %add3A_647 = arith.addi %mul3A_180, %add3A_646 : i32
        %get3A_648 = arith.index_cast %add3A_647 : i32 to index
        %get3A_649 = tpu.vector_load %arg6[%get3A_648] {strides = array<i32>} : memref<25600xf32, #tpu.memory_space<vmem>>, vector<16xf32>,
        %max3A_650 = arith.maximumf %max3A_645, %get3A_649 : vector<16xf32>
        %add3A_651 = arith.constant 224 : i32
        %add3A_652 = arith.addi %mul3A_180, %add3A_651 : i32
        %get3A_653 = arith.index_cast %add3A_652 : i32 to index
        %get3A_654 = tpu.vector_load %arg6[%get3A_653] {strides = array<i32>} : memref<25600xf32, #tpu.memory_space<vmem>>, vector<16xf32>,
        %max3A_655 = arith.maximumf %max3A_650, %get3A_654 : vector<16xf32>
        %add3A_656 = arith.constant 240 : i32
        %add3A_657 = arith.addi %mul3A_180, %add3A_656 : i32
        %get3A_658 = arith.index_cast %add3A_657 : i32 to index
        %get3A_659 = tpu.vector_load %arg6[%get3A_658] {strides = array<i32>} : memref<25600xf32, #tpu.memory_space<vmem>>, vector<16xf32>,
        %max3A_660 = arith.maximumf %max3A_655, %get3A_659 : vector<16xf32>
        %reduce_max3A_661 = arith.constant true
        %reduce_max3A_662 = vector.broadcast %reduce_max3A_661 : i1 to vector<16xi1>
        %reduce_max3A_663 = tpu.scan <max>, %max3A_660 masked %reduce_max3A_662 : vector<16xf32>, vector<16xi1> -> vector<16xf32>
        %reduce_max3A_664 = vector.extract %reduce_max3A_663[15] : f32 from vector<16xf32>
        %jit3A_665 = arith.constant 16 : i32
        %div3A_666 = arith.divsi %min3A_178, %jit3A_665 : i32
        %sign3A_667 = arith.constant 0 : i32
        %sign3A_668 = arith.cmpi sgt, %min3A_178, %sign3A_667 : i32
        %sign3A_669 = arith.extui %sign3A_668 : i1 to i32
        %sign3A_670 = arith.constant 0 : i32
        %sign3A_671 = arith.cmpi slt, %min3A_178, %sign3A_670 : i32
        %sign3A_672 = arith.extui %sign3A_671 : i1 to i32
        %sign3A_673 = arith.subi %sign3A_669, %sign3A_672 : i32
        %sign3A_674 = arith.constant 0 : i32
        %sign3A_675 = arith.cmpi sgt, %jit3A_665, %sign3A_674 : i32
        %sign3A_676 = arith.extui %sign3A_675 : i1 to i32
        %sign3A_677 = arith.constant 0 : i32
        %sign3A_678 = arith.cmpi slt, %jit3A_665, %sign3A_677 : i32
        %sign3A_679 = arith.extui %sign3A_678 : i1 to i32
        %sign3A_680 = arith.subi %sign3A_676, %sign3A_679 : i32
        %ne3A_681 = arith.cmpi ne, %sign3A_673, %sign3A_680 : i32
        %rem3A_682 = arith.remsi %min3A_178, %jit3A_665 : i32
        %ne3A_683 = arith.constant 0 : i32
        %ne3A_684 = arith.cmpi ne, %rem3A_682, %ne3A_683 : i32
        %and3A_685 = arith.andi %ne3A_681, %ne3A_684 : i1
        %sub3A_686 = arith.constant 1 : i32
        %sub3A_687 = arith.subi %div3A_666, %sub3A_686 : i32
        %select_n3A_688 = arith.select %and3A_685, %sub3A_687, %div3A_666 : i32
        %mul3A_689 = arith.constant 16 : i32
        %mul3A_690 = arith.muli %select_n3A_688, %mul3A_689 : i32
        %get3A_691 = arith.index_cast %mul3A_690 : i32 to index
        %get3A_692 = tpu.vector_load %arg7[%get3A_691] {strides = array<i32>} : memref<112xf32, #tpu.memory_space<vmem>>, vector<16xf32>,
        %sub3A_693 = arith.subi %min3A_178, %mul3A_690 : i32
        %eq3A_694 = vector.broadcast %sub3A_693 : i32 to vector<16xi32>
        %eq3A_695 = arith.cmpi eq, %iota3A, %eq3A_694 : vector<16xi32>
        %broadcast_in_dim3A_696 = vector.broadcast %reduce_max3A_664 : f32 to vector<16xf32>
        %select_n3A_697 = arith.select %eq3A_695, %broadcast_in_dim3A_696, %get3A_692 : vector<16xi1>, vector<16xf32>
        %swap3A_698 = arith.index_cast %mul3A_690 : i32 to index
        %swap3A_699 = tpu.vector_load %arg7[%swap3A_698] {strides = array<i32>} : memref<112xf32, #tpu.memory_space<vmem>>, vector<16xf32>,
        tpu.vector_store %arg7[%swap3A_698], %select_n3A_697 {strides = array<i32>} : memref<112xf32, #tpu.memory_space<vmem>>, vector<16xf32>,
      }
      %scan3A_19 = arith.constant 128 : i32
      %dma_start3A = arith.constant 0 : i32
      %dma_start3A_20 = arith.constant 0 : i32
      %dma_start3A_21 = tpu.memref_slice %arg3[%dma_start3A, %dma_start3A_20] : memref<25600x256xf32, #tpu.memory_space<hbm>> -> memref<25600x256xf32, #tpu.memory_space<hbm>>
      tpu.enqueue_indirect_dma source(%dma_start3A_21 : memref<25600x256xf32, #tpu.memory_space<hbm>>) target(%arg9 : memref<128x256xf32, #tpu.memory_space<vmem>>) offsets(%arg8 : memref<128xi32, #tpu.memory_space<vmem>>) semaphore(%arg10 : memref<!tpu.dma_semaphore, #tpu.memory_space<semaphore_mem>>)
      %dma_wait3A = arith.constant 0 : i32
      %dma_wait3A_22 = arith.constant 0 : i32
      %dma_wait3A_23 = tpu.memref_slice %arg3[%dma_wait3A, %dma_wait3A_22] : memref<25600x256xf32, #tpu.memory_space<hbm>> -> memref<25600x256xf32, #tpu.memory_space<hbm>>
      tpu.wait_indirect_dma semaphore(%arg10 : memref<!tpu.dma_semaphore, #tpu.memory_space<semaphore_mem>>) src(%dma_wait3A_23 : memref<25600x256xf32, #tpu.memory_space<hbm>>) dst(%arg9 : memref<128x256xf32, #tpu.memory_space<vmem>>)
      %mul3A_24 = arith.constant 128 : i32
      %mul3A_25 = arith.muli %add3A, %mul3A_24 : i32
      "tpu.region"() ({
        %run_scoped3A = tpu.sem_alloc : memref<!tpu.dma_semaphore, #tpu.memory_space<semaphore_mem>>
        %dma_start3A_26 = arith.constant 0 : i32
        %dma_start3A_27 = tpu.memref_slice %arg5[%mul3A_25, %dma_start3A_26] : memref<3456x256xf32, #tpu.memory_space<hbm>> -> memref<128x256xf32, #tpu.memory_space<hbm>>
        %dma_start3A_28 = arith.constant 0 : i32
        %dma_start3A_29 = tpu.memref_slice %arg5[%mul3A_25, %dma_start3A_28] : memref<3456x256xf32, #tpu.memory_space<hbm>> -> memref<128x256xf32, #tpu.memory_space<hbm>>
        tpu.enqueue_dma source(%arg9 : memref<128x256xf32, #tpu.memory_space<vmem>>) target(%dma_start3A_29 : memref<128x256xf32, #tpu.memory_space<hbm>>) target_semaphore(%run_scoped3A : memref<!tpu.dma_semaphore, #tpu.memory_space<semaphore_mem>>)
        %dma_wait3A_30 = arith.constant 0 : i32
        %dma_wait3A_31 = tpu.memref_slice %arg5[%mul3A_25, %dma_wait3A_30] : memref<3456x256xf32, #tpu.memory_space<hbm>> -> memref<128x256xf32, #tpu.memory_space<hbm>>
        %dma_wait3A_32 = arith.constant 0 : i32
        %dma_wait3A_33 = tpu.memref_slice %arg5[%mul3A_25, %dma_wait3A_32] : memref<3456x256xf32, #tpu.memory_space<hbm>> -> memref<128x256xf32, #tpu.memory_space<hbm>>
        tpu.wait_dma2 semaphore(%run_scoped3A : memref<!tpu.dma_semaphore, #tpu.memory_space<semaphore_mem>>) src(%arg9 : memref<128x256xf32, #tpu.memory_space<vmem>>) dst(%dma_wait3A_33 : memref<128x256xf32, #tpu.memory_space<hbm>>)
        tpu.yield
      }) : () -> ()
      "tpu.region"() ({
        %run_scoped3A = tpu.sem_alloc : memref<!tpu.dma_semaphore, #tpu.memory_space<semaphore_mem>>
        %dma_start3A_26 = arith.constant 0 : i32
        %dma_start3A_27 = tpu.memref_slice %arg4[%add3A, %dma_start3A_26] : memref<27x128xi32, #tpu.memory_space<hbm>> -> memref<1x128xi32, #tpu.memory_space<hbm>>
        %dma_start3A_28 = tpu.memref_squeeze %dma_start3A_27 : memref<1x128xi32, #tpu.memory_space<hbm>> -> memref<128xi32, #tpu.memory_space<hbm>>
        %dma_start3A_29 = arith.constant 0 : i32
        %dma_start3A_30 = tpu.memref_slice %arg4[%add3A, %dma_start3A_29] : memref<27x128xi32, #tpu.memory_space<hbm>> -> memref<1x128xi32, #tpu.memory_space<hbm>>
        %dma_start3A_31 = tpu.memref_squeeze %dma_start3A_30 : memref<1x128xi32, #tpu.memory_space<hbm>> -> memref<128xi32, #tpu.memory_space<hbm>>
        tpu.enqueue_dma source(%arg8 : memref<128xi32, #tpu.memory_space<vmem>>) target(%dma_start3A_31 : memref<128xi32, #tpu.memory_space<hbm>>) target_semaphore(%run_scoped3A : memref<!tpu.dma_semaphore, #tpu.memory_space<semaphore_mem>>)
        %dma_wait3A_32 = arith.constant 0 : i32
        %dma_wait3A_33 = tpu.memref_slice %arg4[%add3A, %dma_wait3A_32] : memref<27x128xi32, #tpu.memory_space<hbm>> -> memref<1x128xi32, #tpu.memory_space<hbm>>
        %dma_wait3A_34 = tpu.memref_squeeze %dma_wait3A_33 : memref<1x128xi32, #tpu.memory_space<hbm>> -> memref<128xi32, #tpu.memory_space<hbm>>
        %dma_wait3A_35 = arith.constant 0 : i32
        %dma_wait3A_36 = tpu.memref_slice %arg4[%add3A, %dma_wait3A_35] : memref<27x128xi32, #tpu.memory_space<hbm>> -> memref<1x128xi32, #tpu.memory_space<hbm>>
        %dma_wait3A_37 = tpu.memref_squeeze %dma_wait3A_36 : memref<1x128xi32, #tpu.memory_space<hbm>> -> memref<128xi32, #tpu.memory_space<hbm>>
        tpu.wait_dma2 semaphore(%run_scoped3A : memref<!tpu.dma_semaphore, #tpu.memory_space<semaphore_mem>>) src(%arg8 : memref<128xi32, #tpu.memory_space<vmem>>) dst(%dma_wait3A_37 : memref<128xi32, #tpu.memory_space<hbm>>)
        tpu.yield
      }) : () -> ()
    } else {
    }
    return
  }
}

module attributes {stable_mosaic.version = 14 : i64} {
  func.func @_s3_body(%arg0: i32, %arg1: memref<384x256xf32, #tpu.memory_space<vmem>>, %arg2: memref<384x1xi32, #tpu.memory_space<vmem>>, %arg3: memref<16x256xf32, #tpu.memory_space<vmem>>, %arg4: memref<16x256xf32, #tpu.memory_space<vmem>>, %arg5: memref<256x384xf32, #tpu.memory_space<vmem>>, %arg6: memref<384x384xf32, #tpu.memory_space<vmem>>, %arg7: memref<384x384xf32, #tpu.memory_space<vmem>>, %arg8: memref<384x384xf32, #tpu.memory_space<vmem>>, %arg9: memref<384x384xf32, #tpu.memory_space<vmem>>, %arg10: memref<384x384xf32, #tpu.memory_space<vmem>>, %arg11: memref<384x384xf32, #tpu.memory_space<vmem>>, %arg12: memref<384x384xf32, #tpu.memory_space<vmem>>) attributes {dimension_semantics = [#tpu.dimension_semantics<arbitrary>], iteration_bounds = array<i64: 9>, scalar_prefetch = 0 : i64, scratch_operands = 0 : i64, tpu.core_type = #tpu.core_type<tc>, window_params = [{transform_indices = @transform_0, window_bounds = array<i64: 384, 256>}, {transform_indices = @transform_1, window_bounds = array<i64: 384, 1>}, {pipeline_mode = #tpu.pipeline_mode<synchronous>, transform_indices = @transform_2, window_bounds = array<i64: 16, 256>}, {pipeline_mode = #tpu.pipeline_mode<synchronous>, transform_indices = @transform_3, window_bounds = array<i64: 16, 256>}, {pipeline_mode = #tpu.pipeline_mode<synchronous>, transform_indices = @transform_4, window_bounds = array<i64: 256, 384>}, {pipeline_mode = #tpu.pipeline_mode<synchronous>, transform_indices = @transform_5, window_bounds = array<i64: 384, 384>}, {pipeline_mode = #tpu.pipeline_mode<synchronous>, transform_indices = @transform_6, window_bounds = array<i64: 384, 384>}, {pipeline_mode = #tpu.pipeline_mode<synchronous>, transform_indices = @transform_7, window_bounds = array<i64: 384, 384>}, {pipeline_mode = #tpu.pipeline_mode<synchronous>, transform_indices = @transform_8, window_bounds = array<i64: 384, 384>}, {transform_indices = @transform_9, window_bounds = array<i64: 384, 384>}, {transform_indices = @transform_10, window_bounds = array<i64: 384, 384>}, {transform_indices = @transform_11, window_bounds = array<i64: 384, 384>}]} {
    %get3A = arith.constant 0 : index
    %get3A_0 = arith.constant 0 : index
    %get3A_1 = vector.load %arg1[%get3A, %get3A_0] : memref<384x256xf32, #tpu.memory_space<vmem>>, vector<384x256xf32>
    %get3A_2 = arith.constant 0 : index
    %get3A_3 = arith.constant 0 : index
    %get3A_4 = vector.load %arg5[%get3A_2, %get3A_3] : memref<256x384xf32, #tpu.memory_space<vmem>>, vector<256x384xf32>
    %dot_general3A = arith.constant dense<0.000000e+00> : vector<384x384xf32>
    %dot_general3A_5 = tpu.matmul %get3A_1, %get3A_4, %dot_general3A {dimension_numbers = #tpu.dot_dimension_numbers<[1], [0], [0], [1], [0, 0, 1, 1], [], []>, transpose_lhs_hint = false} : vector<384x256xf32>, vector<256x384xf32>, vector<384x384xf32> -> vector<384x384xf32>
    %get3A_6 = arith.constant 0 : index
    %get3A_7 = arith.constant 0 : index
    %get3A_8 = vector.load %arg2[%get3A_6, %get3A_7] : memref<384x1xi32, #tpu.memory_space<vmem>>, vector<384x1xi32>
    %iota3A = tpu.iota {dimensions = array<i32: 1>} : vector<1x16xi32>
    %eq3A = vector.broadcast %get3A_8 : vector<384x1xi32> to vector<384x16xi32>
    %eq3A_9 = vector.broadcast %iota3A : vector<1x16xi32> to vector<384x16xi32>
    %eq3A_10 = arith.cmpi eq, %eq3A, %eq3A_9 : vector<384x16xi32>
    %convert_element_type3A = arith.extui %eq3A_10 : vector<384x16xi1> to vector<384x16xi32>
    %convert_element_type3A_11 = arith.sitofp %convert_element_type3A : vector<384x16xi32> to vector<384x16xf32>
    %get3A_12 = arith.constant 0 : index
    %get3A_13 = arith.constant 0 : index
    %get3A_14 = vector.load %arg3[%get3A_12, %get3A_13] : memref<16x256xf32, #tpu.memory_space<vmem>>, vector<16x256xf32>
    %dot_general3A_15 = arith.constant dense<0.000000e+00> : vector<384x256xf32>
    %dot_general3A_16 = tpu.matmul %convert_element_type3A_11, %get3A_14, %dot_general3A_15 {dimension_numbers = #tpu.dot_dimension_numbers<[1], [0], [0], [1], [0, 0, 1, 1], [], []>, transpose_lhs_hint = false} : vector<384x16xf32>, vector<16x256xf32>, vector<384x256xf32> -> vector<384x256xf32>
    %get3A_17 = arith.constant 0 : index
    %get3A_18 = arith.constant 0 : index
    %get3A_19 = vector.load %arg4[%get3A_17, %get3A_18] : memref<16x256xf32, #tpu.memory_space<vmem>>, vector<16x256xf32>
    %get3A_20 = arith.constant 0 : index
    %get3A_21 = arith.constant 0 : index
    %get3A_22 = vector.load %arg5[%get3A_20, %get3A_21] : memref<256x384xf32, #tpu.memory_space<vmem>>, vector<256x384xf32>
    %dot_general3A_23 = arith.constant dense<0.000000e+00> : vector<16x384xf32>
    %dot_general3A_24 = tpu.matmul %get3A_19, %get3A_22, %dot_general3A_23 {dimension_numbers = #tpu.dot_dimension_numbers<[1], [0], [0], [1], [0, 0, 1, 1], [], []>, transpose_lhs_hint = false} : vector<16x256xf32>, vector<256x384xf32>, vector<16x384xf32> -> vector<16x384xf32>
    %dot_general3A_25 = arith.constant dense<0.000000e+00> : vector<384x384xf32>
    %dot_general3A_26 = tpu.matmul %convert_element_type3A_11, %dot_general3A_24, %dot_general3A_25 {dimension_numbers = #tpu.dot_dimension_numbers<[1], [0], [0], [1], [0, 0, 1, 1], [], []>, transpose_lhs_hint = false} : vector<384x16xf32>, vector<16x384xf32>, vector<384x384xf32> -> vector<384x384xf32>
    %mul3A = arith.mulf %get3A_1, %dot_general3A_16 : vector<384x256xf32>
    %get3A_27 = arith.constant 0 : index
    %get3A_28 = arith.constant 0 : index
    %get3A_29 = vector.load %arg5[%get3A_27, %get3A_28] : memref<256x384xf32, #tpu.memory_space<vmem>>, vector<256x384xf32>
    %dot_general3A_30 = arith.constant dense<0.000000e+00> : vector<384x384xf32>
    %dot_general3A_31 = tpu.matmul %mul3A, %get3A_29, %dot_general3A_30 {dimension_numbers = #tpu.dot_dimension_numbers<[1], [0], [0], [1], [0, 0, 1, 1], [], []>, transpose_lhs_hint = false} : vector<384x256xf32>, vector<256x384xf32>, vector<384x384xf32> -> vector<384x384xf32>
    %add3A = arith.addf %dot_general3A_31, %dot_general3A_26 : vector<384x384xf32>
    %get3A_32 = arith.constant 0 : index
    %get3A_33 = arith.constant 0 : index
    %get3A_34 = vector.load %arg6[%get3A_32, %get3A_33] : memref<384x384xf32, #tpu.memory_space<vmem>>, vector<384x384xf32>
    %dot_general3A_35 = arith.constant dense<0.000000e+00> : vector<384x384xf32>
    %dot_general3A_36 = tpu.matmul %dot_general3A_5, %get3A_34, %dot_general3A_35 {dimension_numbers = #tpu.dot_dimension_numbers<[1], [0], [0], [1], [0, 0, 1, 1], [], []>, transpose_lhs_hint = false} : vector<384x384xf32>, vector<384x384xf32>, vector<384x384xf32> -> vector<384x384xf32>
    %max3A = arith.constant 0.000000e+00 : f32
    %max3A_37 = vector.broadcast %max3A : f32 to vector<384x384xf32>
    %max3A_38 = arith.maximumf %dot_general3A_36, %max3A_37 : vector<384x384xf32>
    %get3A_39 = arith.constant 0 : index
    %get3A_40 = arith.constant 0 : index
    %get3A_41 = vector.load %arg7[%get3A_39, %get3A_40] : memref<384x384xf32, #tpu.memory_space<vmem>>, vector<384x384xf32>
    %dot_general3A_42 = arith.constant dense<0.000000e+00> : vector<384x384xf32>
    %dot_general3A_43 = tpu.matmul %max3A_38, %get3A_41, %dot_general3A_42 {dimension_numbers = #tpu.dot_dimension_numbers<[1], [0], [0], [1], [0, 0, 1, 1], [], []>, transpose_lhs_hint = false} : vector<384x384xf32>, vector<384x384xf32>, vector<384x384xf32> -> vector<384x384xf32>
    %add3A_44 = arith.addf %dot_general3A_5, %dot_general3A_43 : vector<384x384xf32>
    %get3A_45 = arith.constant 0 : index
    %get3A_46 = arith.constant 0 : index
    %get3A_47 = vector.load %arg8[%get3A_45, %get3A_46] : memref<384x384xf32, #tpu.memory_space<vmem>>, vector<384x384xf32>
    %dot_general3A_48 = arith.constant dense<0.000000e+00> : vector<384x384xf32>
    %dot_general3A_49 = tpu.matmul %add3A_44, %get3A_47, %dot_general3A_48 {dimension_numbers = #tpu.dot_dimension_numbers<[1], [0], [0], [1], [0, 0, 1, 1], [], []>, transpose_lhs_hint = false} : vector<384x384xf32>, vector<384x384xf32>, vector<384x384xf32> -> vector<384x384xf32>
    %max3A_50 = arith.constant 0.000000e+00 : f32
    %max3A_51 = vector.broadcast %max3A_50 : f32 to vector<384x384xf32>
    %max3A_52 = arith.maximumf %dot_general3A_49, %max3A_51 : vector<384x384xf32>
    %get3A_53 = arith.constant 0 : index
    %get3A_54 = arith.constant 0 : index
    %get3A_55 = vector.load %arg9[%get3A_53, %get3A_54] : memref<384x384xf32, #tpu.memory_space<vmem>>, vector<384x384xf32>
    %dot_general3A_56 = arith.constant dense<0.000000e+00> : vector<384x384xf32>
    %dot_general3A_57 = tpu.matmul %max3A_52, %get3A_55, %dot_general3A_56 {dimension_numbers = #tpu.dot_dimension_numbers<[1], [0], [0], [1], [0, 0, 1, 1], [], []>, transpose_lhs_hint = false} : vector<384x384xf32>, vector<384x384xf32>, vector<384x384xf32> -> vector<384x384xf32>
    %add3A_58 = arith.addf %add3A_44, %dot_general3A_57 : vector<384x384xf32>
    %get3A_59 = arith.constant 0 : index
    %get3A_60 = arith.constant 0 : index
    %get3A_61 = vector.load %arg6[%get3A_59, %get3A_60] : memref<384x384xf32, #tpu.memory_space<vmem>>, vector<384x384xf32>
    %dot_general3A_62 = arith.constant dense<0.000000e+00> : vector<384x384xf32>
    %dot_general3A_63 = tpu.matmul %add3A, %get3A_61, %dot_general3A_62 {dimension_numbers = #tpu.dot_dimension_numbers<[1], [0], [0], [1], [0, 0, 1, 1], [], []>, transpose_lhs_hint = false} : vector<384x384xf32>, vector<384x384xf32>, vector<384x384xf32> -> vector<384x384xf32>
    %max3A_64 = arith.constant 0.000000e+00 : f32
    %max3A_65 = vector.broadcast %max3A_64 : f32 to vector<384x384xf32>
    %max3A_66 = arith.maximumf %dot_general3A_63, %max3A_65 : vector<384x384xf32>
    %get3A_67 = arith.constant 0 : index
    %get3A_68 = arith.constant 0 : index
    %get3A_69 = vector.load %arg7[%get3A_67, %get3A_68] : memref<384x384xf32, #tpu.memory_space<vmem>>, vector<384x384xf32>
    %dot_general3A_70 = arith.constant dense<0.000000e+00> : vector<384x384xf32>
    %dot_general3A_71 = tpu.matmul %max3A_66, %get3A_69, %dot_general3A_70 {dimension_numbers = #tpu.dot_dimension_numbers<[1], [0], [0], [1], [0, 0, 1, 1], [], []>, transpose_lhs_hint = false} : vector<384x384xf32>, vector<384x384xf32>, vector<384x384xf32> -> vector<384x384xf32>
    %add3A_72 = arith.addf %add3A, %dot_general3A_71 : vector<384x384xf32>
    %get3A_73 = arith.constant 0 : index
    %get3A_74 = arith.constant 0 : index
    %get3A_75 = vector.load %arg8[%get3A_73, %get3A_74] : memref<384x384xf32, #tpu.memory_space<vmem>>, vector<384x384xf32>
    %dot_general3A_76 = arith.constant dense<0.000000e+00> : vector<384x384xf32>
    %dot_general3A_77 = tpu.matmul %add3A_72, %get3A_75, %dot_general3A_76 {dimension_numbers = #tpu.dot_dimension_numbers<[1], [0], [0], [1], [0, 0, 1, 1], [], []>, transpose_lhs_hint = false} : vector<384x384xf32>, vector<384x384xf32>, vector<384x384xf32> -> vector<384x384xf32>
    %max3A_78 = arith.constant 0.000000e+00 : f32
    %max3A_79 = vector.broadcast %max3A_78 : f32 to vector<384x384xf32>
    %max3A_80 = arith.maximumf %dot_general3A_77, %max3A_79 : vector<384x384xf32>
    %get3A_81 = arith.constant 0 : index
    %get3A_82 = arith.constant 0 : index
    %get3A_83 = vector.load %arg9[%get3A_81, %get3A_82] : memref<384x384xf32, #tpu.memory_space<vmem>>, vector<384x384xf32>
    %dot_general3A_84 = arith.constant dense<0.000000e+00> : vector<384x384xf32>
    %dot_general3A_85 = tpu.matmul %max3A_80, %get3A_83, %dot_general3A_84 {dimension_numbers = #tpu.dot_dimension_numbers<[1], [0], [0], [1], [0, 0, 1, 1], [], []>, transpose_lhs_hint = false} : vector<384x384xf32>, vector<384x384xf32>, vector<384x384xf32> -> vector<384x384xf32>
    %add3A_86 = arith.addf %add3A_72, %dot_general3A_85 : vector<384x384xf32>
    %swap3A = arith.constant 0 : index
    %swap3A_87 = arith.constant 0 : index
    %swap3A_88 = vector.load %arg10[%swap3A, %swap3A_87] : memref<384x384xf32, #tpu.memory_space<vmem>>, vector<384x384xf32>
    tpu.vector_store %arg10[%swap3A, %swap3A_87], %add3A_58 {strides = array<i32>} : memref<384x384xf32, #tpu.memory_space<vmem>>, vector<384x384xf32>,
    %mul3A_89 = arith.mulf %add3A_58, %add3A_58 : vector<384x384xf32>
    %reduce_sum3A = arith.constant dense<0.000000e+00> : vector<384xf32>
    %reduce_sum3A_90 = vector.multi_reduction <add>, %mul3A_89, %reduce_sum3A [1] : vector<384x384xf32> to vector<384xf32>
    %broadcast_in_dim3A = vector.shape_cast %reduce_sum3A_90 : vector<384xf32> to vector<384x1xf32>
    %sqrt3A = math.sqrt %broadcast_in_dim3A : vector<384x1xf32>
    %add3A_91 = arith.constant 9.99999993E-9 : f32
    %add3A_92 = vector.broadcast %add3A_91 : f32 to vector<384x1xf32>
    %add3A_93 = arith.addf %sqrt3A, %add3A_92 : vector<384x1xf32>
    %div3A = vector.broadcast %add3A_93 : vector<384x1xf32> to vector<384x384xf32>
    %div3A_94 = arith.divf %add3A_58, %div3A : vector<384x384xf32>
    %swap3A_95 = arith.constant 0 : index
    %swap3A_96 = arith.constant 0 : index
    %swap3A_97 = vector.load %arg11[%swap3A_95, %swap3A_96] : memref<384x384xf32, #tpu.memory_space<vmem>>, vector<384x384xf32>
    tpu.vector_store %arg11[%swap3A_95, %swap3A_96], %div3A_94 {strides = array<i32>} : memref<384x384xf32, #tpu.memory_space<vmem>>, vector<384x384xf32>,
    %mul3A_98 = arith.mulf %add3A_86, %add3A_86 : vector<384x384xf32>
    %reduce_sum3A_99 = arith.constant dense<0.000000e+00> : vector<384xf32>
    %reduce_sum3A_100 = vector.multi_reduction <add>, %mul3A_98, %reduce_sum3A_99 [1] : vector<384x384xf32> to vector<384xf32>
    %broadcast_in_dim3A_101 = vector.shape_cast %reduce_sum3A_100 : vector<384xf32> to vector<384x1xf32>
    %sqrt3A_102 = math.sqrt %broadcast_in_dim3A_101 : vector<384x1xf32>
    %add3A_103 = arith.constant 9.99999993E-9 : f32
    %add3A_104 = vector.broadcast %add3A_103 : f32 to vector<384x1xf32>
    %add3A_105 = arith.addf %sqrt3A_102, %add3A_104 : vector<384x1xf32>
    %div3A_106 = vector.broadcast %add3A_105 : vector<384x1xf32> to vector<384x384xf32>
    %div3A_107 = arith.divf %add3A_86, %div3A_106 : vector<384x384xf32>
    %swap3A_108 = arith.constant 0 : index
    %swap3A_109 = arith.constant 0 : index
    %swap3A_110 = vector.load %arg12[%swap3A_108, %swap3A_109] : memref<384x384xf32, #tpu.memory_space<vmem>>, vector<384x384xf32>
    tpu.vector_store %arg12[%swap3A_108, %swap3A_109], %div3A_107 {strides = array<i32>} : memref<384x384xf32, #tpu.memory_space<vmem>>, vector<384x384xf32>,
    return
  }
  func.func @transform_0(%arg0: i32) -> (i32, i32) {
    %c0_i32 = arith.constant 0 : i32
    %c0_i32_0 = arith.constant 0 : i32
    return %arg0, %c0_i32 : i32, i32
  }
  func.func @transform_1(%arg0: i32) -> (i32, i32) {
    %c0_i32 = arith.constant 0 : i32
    %c0_i32_0 = arith.constant 0 : i32
    return %arg0, %c0_i32 : i32, i32
  }
  func.func @transform_2(%arg0: i32) -> (i32, i32) {
    %c0_i32 = arith.constant 0 : i32
    %c0_i32_0 = arith.constant 0 : i32
    %c0_i32_1 = arith.constant 0 : i32
    return %c0_i32, %c0_i32_0 : i32, i32
  }
  func.func @transform_3(%arg0: i32) -> (i32, i32) {
    %c0_i32 = arith.constant 0 : i32
    %c0_i32_0 = arith.constant 0 : i32
    %c0_i32_1 = arith.constant 0 : i32
    return %c0_i32, %c0_i32_0 : i32, i32
  }
  func.func @transform_4(%arg0: i32) -> (i32, i32) {
    %c0_i32 = arith.constant 0 : i32
    %c0_i32_0 = arith.constant 0 : i32
    %c0_i32_1 = arith.constant 0 : i32
    return %c0_i32, %c0_i32_0 : i32, i32
  }
  func.func @transform_5(%arg0: i32) -> (i32, i32) {
    %c0_i32 = arith.constant 0 : i32
    %c0_i32_0 = arith.constant 0 : i32
    %c0_i32_1 = arith.constant 0 : i32
    return %c0_i32, %c0_i32_0 : i32, i32
  }
  func.func @transform_6(%arg0: i32) -> (i32, i32) {
    %c0_i32 = arith.constant 0 : i32
    %c0_i32_0 = arith.constant 0 : i32
    %c0_i32_1 = arith.constant 0 : i32
    return %c0_i32, %c0_i32_0 : i32, i32
  }
  func.func @transform_7(%arg0: i32) -> (i32, i32) {
    %c0_i32 = arith.constant 0 : i32
    %c0_i32_0 = arith.constant 0 : i32
    %c0_i32_1 = arith.constant 0 : i32
    return %c0_i32, %c0_i32_0 : i32, i32
  }
  func.func @transform_8(%arg0: i32) -> (i32, i32) {
    %c0_i32 = arith.constant 0 : i32
    %c0_i32_0 = arith.constant 0 : i32
    %c0_i32_1 = arith.constant 0 : i32
    return %c0_i32, %c0_i32_0 : i32, i32
  }
  func.func @transform_9(%arg0: i32) -> (i32, i32) {
    %c0_i32 = arith.constant 0 : i32
    %c0_i32_0 = arith.constant 0 : i32
    return %arg0, %c0_i32 : i32, i32
  }
  func.func @transform_10(%arg0: i32) -> (i32, i32) {
    %c0_i32 = arith.constant 0 : i32
    %c0_i32_0 = arith.constant 0 : i32
    return %arg0, %c0_i32 : i32, i32
  }
  func.func @transform_11(%arg0: i32) -> (i32, i32) {
    %c0_i32 = arith.constant 0 : i32
    %c0_i32_0 = arith.constant 0 : i32
    return %arg0, %c0_i32 : i32, i32
  }
}

module attributes {stable_mosaic.version = 14 : i64} {
  func.func @_s4_body(%arg0: i32, %arg1: memref<384x384xf32, #tpu.memory_space<vmem>>, %arg2: memref<3456x384xf32, #tpu.memory_space<vmem>>, %arg3: memref<384x384xf32, #tpu.memory_space<vmem>>, %arg4: memref<1x1xf32, #tpu.memory_space<vmem>>, %arg5: memref<1x1xf32, #tpu.memory_space<smem>>) attributes {dimension_semantics = [#tpu.dimension_semantics<arbitrary>], iteration_bounds = array<i64: 9>, scalar_prefetch = 0 : i64, scratch_operands = 1 : i64, tpu.core_type = #tpu.core_type<tc>, window_params = [{transform_indices = @transform_0, window_bounds = array<i64: 384, 384>}, {pipeline_mode = #tpu.pipeline_mode<synchronous>, transform_indices = @transform_1, window_bounds = array<i64: 3456, 384>}, {transform_indices = @transform_2, window_bounds = array<i64: 384, 384>}, {pipeline_mode = #tpu.pipeline_mode<synchronous>, transform_indices = @transform_3, window_bounds = array<i64: 1, 1>}]} {
    %get3A = arith.constant 0 : index
    %get3A_0 = arith.constant 0 : index
    %get3A_1 = vector.load %arg1[%get3A, %get3A_0] : memref<384x384xf32, #tpu.memory_space<vmem>>, vector<384x384xf32>
    %get3A_2 = arith.constant 0 : index
    %get3A_3 = arith.constant 0 : index
    %get3A_4 = vector.load %arg2[%get3A_2, %get3A_3] : memref<3456x384xf32, #tpu.memory_space<vmem>>, vector<3456x384xf32>
    %dot_general3A = arith.constant dense<0.000000e+00> : vector<384x3456xf32>
    %dot_general3A_5 = tpu.matmul %get3A_1, %get3A_4, %dot_general3A {dimension_numbers = #tpu.dot_dimension_numbers<[1], [1], [0], [0], [0, 0, 1, 0], [], []>, transpose_lhs_hint = false} : vector<384x384xf32>, vector<3456x384xf32>, vector<384x3456xf32> -> vector<384x3456xf32>
    %div3A = arith.constant 1.000000e-01 : f32
    %div3A_6 = vector.broadcast %div3A : f32 to vector<384x3456xf32>
    %div3A_7 = arith.divf %dot_general3A_5, %div3A_6 : vector<384x3456xf32>
    %reduce_max3A = arith.constant dense<0xFF800000> : vector<384xf32>
    %reduce_max3A_8 = vector.multi_reduction <maximumf>, %div3A_7, %reduce_max3A [1] : vector<384x3456xf32> to vector<384xf32>
    %broadcast_in_dim3A = vector.shape_cast %reduce_max3A_8 : vector<384xf32> to vector<384x1xf32>
    %sub3A = vector.broadcast %broadcast_in_dim3A : vector<384x1xf32> to vector<384x3456xf32>
    %sub3A_9 = arith.subf %div3A_7, %sub3A : vector<384x3456xf32>
    %exp3A = math.exp %sub3A_9 : vector<384x3456xf32>
    %reduce_sum3A = arith.constant dense<0.000000e+00> : vector<384xf32>
    %reduce_sum3A_10 = vector.multi_reduction <add>, %exp3A, %reduce_sum3A [1] : vector<384x3456xf32> to vector<384xf32>
    %broadcast_in_dim3A_11 = vector.shape_cast %reduce_sum3A_10 : vector<384xf32> to vector<384x1xf32>
    %log3A = math.log %broadcast_in_dim3A_11 : vector<384x1xf32>
    %add3A = arith.addf %broadcast_in_dim3A, %log3A : vector<384x1xf32>
    %get3A_12 = arith.constant 0 : index
    %get3A_13 = arith.constant 0 : index
    %get3A_14 = vector.load %arg3[%get3A_12, %get3A_13] : memref<384x384xf32, #tpu.memory_space<vmem>>, vector<384x384xf32>
    %mul3A = arith.mulf %get3A_1, %get3A_14 : vector<384x384xf32>
    %reduce_sum3A_15 = arith.constant dense<0.000000e+00> : vector<384xf32>
    %reduce_sum3A_16 = vector.multi_reduction <add>, %mul3A, %reduce_sum3A_15 [1] : vector<384x384xf32> to vector<384xf32>
    %broadcast_in_dim3A_17 = vector.shape_cast %reduce_sum3A_16 : vector<384xf32> to vector<384x1xf32>
    %div3A_18 = arith.constant 1.000000e-01 : f32
    %div3A_19 = vector.broadcast %div3A_18 : f32 to vector<384x1xf32>
    %div3A_20 = arith.divf %broadcast_in_dim3A_17, %div3A_19 : vector<384x1xf32>
    %sub3A_21 = arith.subf %add3A, %div3A_20 : vector<384x1xf32>
    %reduce_sum3A_22 = vector.shape_cast %sub3A_21 : vector<384x1xf32> to vector<1x384x1xf32>
    %reduce_sum3A_23 = arith.constant dense<0.000000e+00> : vector<1xf32>
    %reduce_sum3A_24 = vector.multi_reduction <add>, %reduce_sum3A_22, %reduce_sum3A_23 [1, 2] : vector<1x384x1xf32> to vector<1xf32>
    %reduce_sum3A_25 = vector.shape_cast %reduce_sum3A_24 : vector<1xf32> to vector<1x1x1xf32>
    %reduce_sum3A_26 = vector.extract %reduce_sum3A_25[0, 0, 0] : f32 from vector<1x1x1xf32>
    %eq3A = arith.constant 0 : i32
    %eq3A_27 = arith.cmpi eq, %arg0, %eq3A : i32
    %convert_element_type3A = arith.extui %eq3A_27 : i1 to i32
    %cond3A = arith.constant 0 : i32
    %cond3A_28 = arith.cmpi ne, %convert_element_type3A, %cond3A : i32
    scf.if %cond3A_28 {
      %swap3A_40 = arith.constant 0.000000e+00 : f32
      %swap3A_41 = arith.constant 0 : index
      %swap3A_42 = arith.constant 0 : index
      %swap3A_43 = memref.load %arg5[%swap3A_41, %swap3A_42] : memref<1x1xf32, #tpu.memory_space<smem>>
      memref.store %swap3A_40, %arg5[%swap3A_41, %swap3A_42] : memref<1x1xf32, #tpu.memory_space<smem>>
    } else {
    }
    %get3A_29 = arith.constant 0 : index
    %get3A_30 = arith.constant 0 : index
    %get3A_31 = memref.load %arg5[%get3A_29, %get3A_30] : memref<1x1xf32, #tpu.memory_space<smem>>
    %add3A_32 = arith.addf %get3A_31, %reduce_sum3A_26 : f32
    %swap3A = arith.constant 0 : index
    %swap3A_33 = arith.constant 0 : index
    %swap3A_34 = memref.load %arg5[%swap3A, %swap3A_33] : memref<1x1xf32, #tpu.memory_space<smem>>
    memref.store %add3A_32, %arg5[%swap3A, %swap3A_33] : memref<1x1xf32, #tpu.memory_space<smem>>
    %eq3A_35 = arith.constant 8 : i32
    %eq3A_36 = arith.cmpi eq, %arg0, %eq3A_35 : i32
    %convert_element_type3A_37 = arith.extui %eq3A_36 : i1 to i32
    %cond3A_38 = arith.constant 0 : i32
    %cond3A_39 = arith.cmpi ne, %convert_element_type3A_37, %cond3A_38 : i32
    scf.if %cond3A_39 {
      %get3A_40 = arith.constant 0 : index
      %get3A_41 = arith.constant 0 : index
      %get3A_42 = memref.load %arg5[%get3A_40, %get3A_41] : memref<1x1xf32, #tpu.memory_space<smem>>
      %div3A_43 = arith.constant 3.456000e+03 : f32
      %div3A_44 = arith.divf %get3A_42, %div3A_43 : f32
      %broadcast_in_dim3A_45 = vector.broadcast %div3A_44 : f32 to vector<1x1xf32>
      %swap3A_46 = arith.constant 0 : index
      %swap3A_47 = arith.constant 0 : index
      %swap3A_48 = vector.load %arg4[%swap3A_46, %swap3A_47] : memref<1x1xf32, #tpu.memory_space<vmem>>, vector<1x1xf32>
      tpu.vector_store %arg4[%swap3A_46, %swap3A_47], %broadcast_in_dim3A_45 {strides = array<i32>} : memref<1x1xf32, #tpu.memory_space<vmem>>, vector<1x1xf32>,
    } else {
    }
    return
  }
  func.func @transform_0(%arg0: i32) -> (i32, i32) {
    %c0_i32 = arith.constant 0 : i32
    %c0_i32_0 = arith.constant 0 : i32
    return %arg0, %c0_i32 : i32, i32
  }
  func.func @transform_1(%arg0: i32) -> (i32, i32) {
    %c0_i32 = arith.constant 0 : i32
    %c0_i32_0 = arith.constant 0 : i32
    %c0_i32_1 = arith.constant 0 : i32
    return %c0_i32, %c0_i32_0 : i32, i32
  }
  func.func @transform_2(%arg0: i32) -> (i32, i32) {
    %c0_i32 = arith.constant 0 : i32
    %c0_i32_0 = arith.constant 0 : i32
    return %arg0, %c0_i32 : i32, i32
  }
  func.func @transform_3(%arg0: i32) -> (i32, i32) {
    %c0_i32 = arith.constant 0 : i32
    %c0_i32_0 = arith.constant 0 : i32
    %c0_i32_1 = arith.constant 0 : i32
    return %c0_i32, %c0_i32_0 : i32, i32
  }
}

</mosaic_0001>

<sc_bundles>
// kernel: kernel.5.cloned.1.call-start
scs
__scs_entry_jumppad:
0x0: {  	(pc) =	sbr.rel $0x88, $3  }
0x1: {  	(tag) =	ssettag $0x0;
	lr =	simm.s32 $0x1  }
0x2: {  	[smem:$0x3F98] =	sst lr;
	_ =	strace $0xD0000000  }
0x3: {  	_ = 	snop  }
0x4: {  	_ = 	snop  }
0x5: {  	_ = 	snop  }
0x6: {  	_ = 	snop  }
0x7: {  	_ = 	snop  }
__scs_overlays_trampoline_lowered:
0x8: {  	[smem:$0x3FA7] =	sst s0  }
0x9: {  	[smem:$0x3FA8] =	sst s1  }
0xa: {  	[smem:$0x3FA9] =	sst s2  }
0xb: {  	[smem:$0x3FAA] =	sst s3  }
0xc: {  	[smem:$0x3FAB] =	sst s4  }
0xd: {  	[smem:$0x3FAC] =	sst s5  }
0xe: {  	[smem:$0x3FAD] =	sst s6  }
0xf: {  	[smem:$0x3FAE] =	sst s7  }
0x10: {  	[smem:$0x3FAF] =	sst s8  }
0x11: {  	[smem:$0x3FB0] =	sst s9;
	s0 =	simm.s32 @!p0 $0x0  }
0x12: {  	s1 =	sld [smem:$0x3F96];
	s0 =	simm.s32 @p0 $0x1  }
0x13: {  	[smem:$0x3FB1] =	sst s0;
	s0 =	simm.s32 @!p1 $0x0  }
0x14: {  	s2 =	sld [smem:$0x3F95];
	s0 =	simm.s32 @p1 $0x1  }
0x15: {  	[smem:$0x3FB2] =	sst s0;
	s0 =	simm.s32 @!p2 $0x0  }
0x16: {  	s3 =	sld [smem:$0x3FDB];
	s0 =	simm.s32 @p2 $0x1  }
0x17: {  	s4 =	simm.s32 $0x1BF5;
	[smem:$0x3FB4] =	sst s0  }
0x18: {  	s0 =	sld [smem:$0x3F97];
	_ =	swait.ge [sflag:s4], $0x0  }
0x19: {  	s7 =	sld [smem:$0x3F98]  }
0x1a: {  	s8 =	sadd.s32 $0xFFFFE003, lr  }
0x1b: {  	s9 =	sadd.s32 $0xFFFFFEF7, lr;
	s5 =	simm.s32 $0xFFFFFFFF;
	p2 =	slt.u32 s8, $0xFFFFF086  }
0x1c: {  	p1 =	slt.u32 s9, $0xF7A;
	s5 =	simm.s32 @!p2 $0x0  }
0x1d: {  	s5 =	simm.s32 @p1 $0x1;
	p0 =	seq.s32 s7, s2  }
0x1e: {  	s7 =	smul.u32 @!p0 $0xF7A, s2;
	p2 =	seq.s32 @!p0 s5, $0x0  }
0x1f: {  	s9 =	smul.u32 $0xF7A, s1;
	s8 =	simm.s32 @!p0 $0x1BF5;
	p2 =	por !p2, p0  }
0x20: {  	[sflag:s8] =	ssyncset.s32 @!p0 $0xFFFFF086;
	s6 =	sadd.s32 @!p0 s3, s7;
	s7 =	simm.s32 @!p0 $0x108  }
0x21: {  	s3 =	sadd.s32 s3, s9;
	s6 =	sadd.s32 @!p0 $0x88, s6;
	s7 =	simm.s32 @p2 $0x1082  }
0x22: {  	[simem:s7], [sflag:s8] =	dma.local @!p0 [hbm:s6], $0xF7A  }
0x23: {  	s9 =	sor.u32 $0xD0000000, s2;
	s6 =	simm.s32 $0x108;
	_ =	swait.ge @!p0 [sflag:s8], $0x0  }
0x24: {  	s3 =	sadd.s32 $0x88, s3;
	s6 =	simm.s32 @!p1 $0x1082;
	[sflag:s4] =	ssyncset.s32 $0xFFFFF086  }
0x25: {  	[simem:s6], [sflag:s4] =	dma.local [hbm:s3], $0xF7A  }
0x26: {  	[smem:$0x3F98] =	sst s1;
	(tag) =	ssettag s2;
	_ =	strace s9  }
0x27: {  	s1 =	sld [smem:$0x3FA8]  }
0x28: {  	s2 =	sld [smem:$0x3FA9]  }
0x29: {  	s4 =	sld [smem:$0x3FAB]  }
0x2a: {  	p0 =	seq.s32 s5, $0x0;
	s5 =	sld [smem:$0x3FAC]  }
0x2b: {  	s6 =	sld [smem:$0x3FAD]  }
0x2c: {  	s7 =	sld [smem:$0x3FAE]  }
0x2d: {  	s3 =	simm.s32 $0x108;
	s8 =	sld [smem:$0x3FAF]  }
0x2e: {  	s3 =	simm.s32 @!p0 $0x1082;
	s9 =	sld [smem:$0x3FB0]  }
0x2f: {  	lr =	sadd.s32 s0, s3;
	s0 =	sld [smem:$0x3FA7]  }
0x30: {  	s3 =	sld [smem:$0x3FAA]  }
0x31: {  	[smem:$0x3FB3] =	sst s10  }
0x32: {  	s10 =	sld [smem:$0x3FB1];
	_ =	sdelay $0x3  }
0x33: {  	p0 =	seq.s32 s10, $0x1;
	s10 =	sld [smem:$0x3FB3];
	_ =	sdelay $0x3  }
0x34: {  	[smem:$0x3FB3] =	sst s10  }
0x35: {  	s10 =	sld [smem:$0x3FB2];
	_ =	sdelay $0x3  }
0x36: {  	p1 =	seq.s32 s10, $0x1;
	s10 =	sld [smem:$0x3FB3];
	_ =	sdelay $0x3  }
0x37: {  	[smem:$0x3FB3] =	sst s10  }
0x38: {  	s10 =	sld [smem:$0x3FB4]  }
0x39: {  	_ = 	snop;
	(pc) =	sbr.ind lr, $3  }
0x3a: {  	_ = 	snop  }
0x3b: {  	_ = 	snop  }
0x3c: {  	p2 =	seq.s32 s10, $0x1;
	s10 =	sld [smem:$0x3FB3]  }
0x3d: {  	_ =	shalt  }
0x3e: {  	_ =	shalt  }
0x3f: {  	_ =	shalt  }
0x40: {  	_ =	shalt  }
0x41: {  	_ =	shalt  }
0x42: {  	_ =	shalt  }
0x43: {  	_ =	shalt  }
0x44: {  	_ =	shalt  }
0x45: {  	_ =	shalt  }
0x46: {  	_ =	shalt  }
0x47: {  	_ =	shalt  }
0x48: {  	_ =	shalt  }
0x49: {  	_ =	shalt  }
0x4a: {  	_ =	shalt  }
0x4b: {  	_ =	shalt  }
0x4c: {  	_ =	shalt  }
0x4d: {  	_ =	shalt  }
0x4e: {  	_ =	shalt  }
0x4f: {  	_ =	shalt  }
0x50: {  	_ =	shalt  }
0x51: {  	_ =	shalt  }
0x52: {  	_ =	shalt  }
0x53: {  	_ =	shalt  }
0x54: {  	_ =	shalt  }
0x55: {  	_ =	shalt  }
0x56: {  	_ =	shalt  }
0x57: {  	_ =	shalt  }
0x58: {  	_ =	shalt  }
0x59: {  	_ =	shalt  }
0x5a: {  	_ =	shalt  }
0x5b: {  	_ =	shalt  }
0x5c: {  	_ =	shalt  }
0x5d: {  	_ =	shalt  }
0x5e: {  	_ =	shalt  }
0x5f: {  	_ =	shalt  }
0x60: {  	_ =	shalt  }
0x61: {  	_ =	shalt  }
0x62: {  	_ =	shalt  }
0x63: {  	_ =	shalt  }
0x64: {  	_ =	shalt  }
0x65: {  	_ =	shalt  }
0x66: {  	_ =	shalt  }
0x67: {  	_ =	shalt  }
0x68: {  	_ =	shalt  }
0x69: {  	_ =	shalt  }
0x6a: {  	_ =	shalt  }
0x6b: {  	_ =	shalt  }
0x6c: {  	_ =	shalt  }
0x6d: {  	_ =	shalt  }
0x6e: {  	_ =	shalt  }
0x6f: {  	_ =	shalt  }
0x70: {  	_ =	shalt  }
0x71: {  	_ =	shalt  }
0x72: {  	_ =	shalt  }
0x73: {  	_ =	shalt  }
0x74: {  	_ =	shalt  }
0x75: {  	_ =	shalt  }
0x76: {  	_ =	shalt  }
0x77: {  	_ =	shalt  }
0x78: {  	_ =	shalt  }
0x79: {  	_ =	shalt  }
0x7a: {  	_ =	shalt  }
0x7b: {  	_ =	shalt  }
0x7c: {  	_ =	shalt  }
0x7d: {  	_ =	shalt  }
0x7e: {  	_ =	shalt  }
0x7f: {  	_ =	shalt  }
0x80: {  	_ =	shalt  }
0x81: {  	_ =	shalt  }
0x82: {  	_ =	shalt  }
0x83: {  	_ =	shalt  }
0x84: {  	_ =	shalt  }
0x85: {  	_ =	shalt  }
0x86: {  	_ =	shalt  }
0x87: {  	_ =	shalt  }
.Lfunc_end0:
.L_simem_size_0:
called_computation_lowered:
.L_overlay_start_0:
0x88: {  	s2 =	sld [smem:$0x3FD9]  }
0x89: {  	s3 =	sld [smem:$0x3FFE];
	_ =	sdelay $0x1  }
0x8a: {  	s1 =	srdreg.scid  }
0x8b: {  	s0 =	sand.u32 $0x1, s1  }
0x8c: {  	s14 =	sshll.u32 s0, $0xA;
	s2 =	sadd.s32 s3, s2  }
0x8d: {  	s2 =	sadd.s32 s2, s14  }
0x8e: {  	[smem:$0x3FBF] =	sst s2  }
0x8f: {  	_ = 	snop  }
0x90: {  	s2 =	sld [smem:$0x3FD0];
	_ =	sdelay $0x2  }
0x91: {  	s15 =	simm.s32 $0xA;
	s4 =	simm.s32 $0x10  }
0x92: {  	[smem:s4], [sflag:s15] =	dma.local [hbm:s2], $0x1  }
0x93: {  	_ =	swait.eq [sflag:s15], $0x1  }
0x94: {  	[sflag:s15] =	ssyncset.done $0x0  }
0x95: {  	[sflag:s15] =	ssyncadd.s32 $0xFFFFFFFF  }
0x96: {  	s16 =	sld [smem:$0x10];
	(tm) =	ssettm $0x1  }
0x97: {  	s17 =	sld [smem:$0x3FFB];
	_ =	sdelay $0x3  }
0x98: {  	_ =	strace s17  }
0x99: {  	s3 =	sld [smem:$0x3FFC];
	_ =	sdelay $0x3  }
0x9a: {  	_ =	strace s3  }
0x9b: {  	s3 =	sld [smem:$0x3FFD];
	_ =	sdelay $0x3  }
0x9c: {  	_ =	strace s3  }
0x9d: {  	_ =	strace $0x8FFFFFFF  }
0x9e: {  	s18 =	sld [smem:$0x3FDB];
	_ =	sdelay $0x1  }
0x9f: {  	s19 =	simm.s32 $_scs_section_size  }
0xa0: {  	s5 =	simm.s32 $_size__tile_overlayer_lowered;
	s6 =	simm.s32 $_tile_overlayer_lowered  }
0xa1: {  	s22 =	simm.s32 $0x1BFF;
	s21 =	sshll.u32 s6, $0x1;
	s3 =	sadd.s32 s19, s18  }
0xa2: {  	s7 =	simm.s32 $0x0;
	s20 =	sshll.u32 s5, $0x1;
	s5 =	sadd.s32 s21, s3  }
0xa3: {  	[timem:s7], [sflag:s22] =	dma.local [hbm:s5], s20  }
0xa4: {  	_ =	swait.ge [sflag:s22], s20  }
0xa5: {  	s4 =	ssub.s32 $0x0, s20;
	[sflag:s22] =	ssyncset.done $0x0  }
0xa6: {  	[sflag:s22] =	ssyncadd.s32 s4;
	_ =	sdelay $0x1  }
0xa7: {  	s23 =	simm.s32 $0x1B8B  }
0xa8: {  	_ =	swait.ge [sflag:s23], $0x1  }
0xa9: {  	[sflag:s23] =	ssyncset.done $0x0  }
0xaa: {  	s25 =	simm.s32 $0x1B8E;
	s24 =	sld [smem:$0x3FFE];
	[sflag:s23] =	ssyncadd.s32 $0xFFFFFFFF  }
0xab: {  	s26 =	simm.s32 $execute0_lowered;
	[smem:$0x3FD2] =	sst s25  }
0xac: {  	s5 =	sshll.u32 s26, $0x1;
	_ =	strace $0x80000046;
	[dreg:$0x1] =	wrdreg $0xFFFFFFFF  }
0xad: {  	s28 =	simm.s32 $_size_execute0_lowered;
	s3 =	sadd.s32 s3, s5;
	[dreg:$0x0] =	wrdreg $0x0  }
0xae: {  	s5 =	sshll.u32 s28, $0x1;
	[dreg:$0x2] =	wrdreg s3  }
0xaf: {  	[dreg:$0x3] =	wrdreg s5  }
0xb0: {  	[dreg:$0x4] =	wrdreg $0xC0  }
0xb1: {  	_ =	task [dreg:s7], $0x5FFFF  }
0xb2: {  	[dreg:$0x1] =	wrdreg $0xFFFFFFFF  }
0xb3: {  	[dreg:$0x0] =	wrdreg $0x60  }
0xb4: {  	[dreg:$0x2] =	wrdreg s24  }
0xb5: {  	[dreg:$0x3] =	wrdreg s16  }
0xb6: {  	[dreg:$0x4] =	wrdreg $0x9  }
0xb7: {  	_ =	task.clear_ibuf [dreg:s7], $0x5FFFF;
	_ =	strace $0x90000046  }
0xb8: {  	s29 =	simm.s32 $0x9;
	_ =	strace $0x80000048  }
0xb9: {  	_ =	swait.ge [sflag:s29], $0x1  }
0xba: {  	[sflag:s29] =	ssyncadd.s32 $0xFFFFFFFF  }
0xbb: {  	_ =	strace $0x90000048  }
0xbc: {  	_ =	sfence  }
0xbd: {  	s30 =	sld [smem:$0x0];
	_ =	sdelay $0x2  }
0xbe: {  	s31 =	sshll.u32 s1, $0xD;
	s1 =	sshrl.u32 s1, $0x2  }
0xbf: {  	s3 =	sand.u32 $0x4000, s31;
	s1 =	sadd.s32 s1, s30  }
0xc0: {  	s0 =	sor.u32 s3, s0;
	s1 =	sshll.u32 s1, $0x11  }
0xc1: {  	s0 =	sor.u32 s1, s0  }
0xc2: {  	s0 =	sadd.s32 $0x8F2B, s0  }
0xc3: {  	[sflag:s0] =	ssyncadd.remote.s32 $0x1  }
0xc4: {  	_ =	sfence.sel $0xFFFF  }
0xc5: {  	[dreg:$0x0] =	wrdreg $0xFFFFFFFF;
	(pc) =	sbr.abs _section_cstart, $3  }
0xc6: {  	[dreg:$0x1] =	wrdreg $0xFFFFFFFF  }
0xc7: {  	_ =	task.clear_ibuf [dreg:s7], $0x2FFFF;
	_ =	strace $0x9FFFFFFF  }
0xc8: {  	(tm) =	ssettm $0x7FFFFFFF  }
0xc9: {  	_ =	shalt  }
tec
execute0_lowered:
.L_overlay_start_1:
0x0: {  	(tag) =	ssettag $0x1  }
0x1: {  	s1 =	srdreg.scid;
	s2 =	stileid.u32  }
0x2: {  	s1 =	sand.u32 $0x1, s1;
	s4 =	sshll.u32 s2, $0x1  }
0x3: {  	s4 =	sor.u32 s1, s4  }
0x4: {  	p0 =	sgt.u32 s4, $0x1A  }
.Ltmp0:
0x5: {  	_ = 	snop;
	(pc) =	sbr.rel @p0 .LBB2_7-.Ltmp0, $4  }
0x6: {  	_ = 	snop  }
0x7: {  	s3 =	rddreg [dreg:$0x0];
	s2 =	simm.s32 $0x0  }
0x8: {  	[smem:$0x7FF] =	sst s2  }
0x9: {  	s0 =	rddreg [dreg:$0x1];
	_ =	strace $0x80000047  }
0xa: {  	s8 =	sadd.s32 $0x1400, s3  }
0xb: {  	s9 =	sshll.u32 s4, $0xC;
	s11 =	simm.s32 $0x6500;
	s15 =	simm.s32 $0x8500  }
0xc: {  	s16 =	simm.s32 $0x8D00;
	s17 =	simm.s32 $0x9500;
	s18 =	simm.s32 $0x9D00  }
0xd: {  	s19 =	simm.s32 $0xA500;
	s20 =	simm.s32 $0xAD00;
	s21 =	simm.s32 $0xB500  }
0xe: {  	s22 =	simm.s32 $0xBD00;
	s23 =	simm.s32 $0xC500;
	s24 =	simm.s32 $0xCD00  }
0xf: {  	v0 =	vlaneseq.u32;
	s25 =	simm.s32 $0xD500;
	s26 =	simm.s32 $0xDD00;
	s28 =	simm.s32 $0x6480  }
0x10: {  	s5 =	stileid.u32;
	v1 =	vor.u32 $0x80000010, v0;
	v2 =	vor.u32 $0x80000020, v0;
	v3 =	vor.u32 $0x80000030, v0  }
0x11: {  	s6 =	sshll.u32 s4, $0x7;
	s1 =	ssub.s32 $0x2, s1;
	s5 =	sshrl.u32 s5, $0x2;
	v4 =	vor.u32 $0x80000040, v0;
	v5 =	vor.u32 $0x80000050, v0;
	v6 =	vor.u32 $0x80000060, v0  }
0x12: {  	s10 =	simm.s32 $0x1;
	v14 =	vimm.f32 $-1.000000000e+00;
	s6 =	sand.u32 $0x380, s6;
	v7 =	vor.u32 $0x80000070, v0;
	v8 =	vor.u32 $0x80000080, v0;
	s7 =	sshll.u32 s5, $0xA  }
0x13: {  	vm0 =	vcmask $0xF00;
	s30 =	sshrl.u32 s1, $0x1;
	v9 =	vor.u32 $0x80000090, v0;
	v10 =	vor.u32 $0x800000A0, v0;
	s5 =	smul.u32 $0x32000, s5;
	s7 =	sor.u32 s7, s6  }
0x14: {  	s29 =	simm.s32 $0x0;
	v11 =	vor.u32 $0x800000B0, v0;
	v12 =	vor.u32 $0x800000C0, v0;
	v13 =	vor.u32 $0x800000D0, v0;
	s31 =	ssub.s32 s1, s30;
	s7 =	sshrl.u32 s7, $0x3  }
0x15: {  	v14 =	vsel vm0, $0x0, v14;
	v15 =	vor.u32 $0x80000000, v0;
	v16 =	vor.u32 $0x800000E0, v0;
	s5 =	sor.u32 s5, s6;
	s6 =	sadd.s32 s0, s9;
	s9 =	simm.s32 $0x2  }
0x16: {  	v17 =	vor.u32 $0x800000F0, v0;
	v18 =	vand.u32 $0x7, v0;
	v19 =	vshrl.u32 v0, $0x3;
	s7 =	sadd.s32 s7, s3;
	s3 =	sadd.s32 $0x12D400, s3;
	s5 =	sshrl.u32 s5, $0x3  }
0x17: {  	vm0 =	vmmov $0xffff;
	v20 =	vor.u32 $0x8, v0;
	v19 =	vmul.u32 $0x8, v19;
	s4 =	sadd.s32 $0x1A400, s7;
	s7 =	sadd.s32 s8, s5;
	s8 =	smax.u32 s31, $0x1  }
.LBB2_2:
0x18: {  	s0 =	simm.s32 $0x80;
	s30 =	simm.s32 $0x0;
	s1 =	simm.s32 $0x400  }
0x19: {  	[tilespmem:s30], [sflag:$0x2] =	stream.strided.gather [hbm4b:s7+s0], $0x6400, s1, s0, $0x38;
	[tilespmem:$0xE500] =	vst v63  }
0x1a: {  	_ =	swait.ge [sflag:s9], $0x6400  }
0x1b: {  	[sflag:s9] =	ssyncset.done $0x0  }
0x1c: {  	[sflag:s9] =	ssyncadd.s32 $0xFFFF9C00  }
0x1d: {  	[tilespmem:$0x6460] =	vst v14  }
0x1e: {  	v21 =	vld [tilespmem:s0+$0xFFFFFF90]  }
0x1f: {  	s5 =	simm.s32 $0x1;
	s1 =	simm.s32 $0x0;
	v22 =	vld [tilespmem:s0+$0xFFFFFF80]  }
.LBB2_3:
0x20: {  	p0 =	sne.s32 s5, $0x63;
	v23 =	vld [tilespmem:s0+$0xFFFFFFA0]  }
0x21: {  	v24 =	vld [tilespmem:s0+$0xFFFFFFB0]  }
0x22: {  	v25 =	vld [tilespmem:s0+$0xFFFFFFC0]  }
0x23: {  	v26 =	vld [tilespmem:s0+$0xFFFFFFD0]  }
0x24: {  	v21 =	vmax.f32 v22, v21;
	v22 =	vld [tilespmem:s0+$0xFFFFFFE0]  }
0x25: {  	v21 =	vmax.f32 v21, v23;
	v23 =	vld [tilespmem:s0+$0xFFFFFFF0]  }
0x26: {  	v21 =	vmax.f32 v21, v24;
	v24 =	vld [tilespmem:s0+$0x0]  }
0x27: {  	v21 =	vmax.f32 v21, v25;
	v25 =	vld [tilespmem:s0+$0x10]  }
0x28: {  	v21 =	vmax.f32 v21, v26;
	v26 =	vld [tilespmem:s0+$0x20]  }
0x29: {  	v21 =	vmax.f32 v21, v22;
	v22 =	vld [tilespmem:s0+$0x30]  }
0x2a: {  	v21 =	vmax.f32 v21, v23;
	v23 =	vld [tilespmem:s0+$0x40]  }
0x2b: {  	v21 =	vmax.f32 v21, v24;
	v24 =	vld [tilespmem:s0+$0x50]  }
0x2c: {  	v21 =	vmax.f32 v21, v25;
	v25 =	vld [tilespmem:s0+$0x60]  }
0x2d: {  	v21 =	vmax.f32 v21, v26;
	v26 =	vld [tilespmem:s0+$0x70]  }
0x2e: {  	v21 =	vmax.f32 v21, v22  }
0x2f: {  	v21 =	vmax.f32 v21, v23  }
0x30: {  	v21 =	vmax.f32 v21, v24  }
0x31: {  	v21 =	vmax.f32 v21, v25  }
0x32: {  	v21 =	vmax.f32 v21, v26  }
0x33: {  	(xrf0) =	vmax.scan.msk.f32 $0xffff, v21;
	_ =	sdelay $0x2  }
0x34: {  	s31 =	sand.u32 $0x70, s1  }
0x35: {  	v21 =	vld [tilespmem:s31+$0x6400];
	_ =	sdelay $0x1  }
0x36: {  	s12 =	sand.u32 $0xF, s1;
	s1 =	smov.u32 s5;
	v22, _, _ =	vpop (xrf0)  }
0x37: {  	v23 =	vmov s12;
	v22 =	vbroadcast v22, $0xF  }
.Ltmp1:
0x38: {  	vm1 =	veq.s32 v23, v0;
	(pc) =	sbr.rel @p0 .LBB2_3-.Ltmp1, $4  }
0x39: {  	v21 =	vsel vm1, v22, v21  }
0x3a: {  	s0 =	sadd.s32 $0x100, s0;
	[tilespmem:s31+$0x6400] =	vst v21  }
0x3b: {  	v21 =	vld [tilespmem:s0+$0xFFFFFF90]  }
0x3c: {  	s5 =	sadd.s32 $0x1, s5;
	v22 =	vld [tilespmem:s0+$0xFFFFFF80]  }
0x3d: {  	v23 =	vld [tilespmem:s0+$0xFFFFFFA0]  }
0x3e: {  	v24 =	vld [tilespmem:s0+$0xFFFFFFB0]  }
0x3f: {  	v25 =	vld [tilespmem:s0+$0xFFFFFFC0]  }
0x40: {  	v26 =	vld [tilespmem:s0+$0xFFFFFFD0]  }
0x41: {  	v21 =	vmax.f32 v22, v21;
	v22 =	vld [tilespmem:s0+$0xFFFFFFE0]  }
0x42: {  	v21 =	vmax.f32 v21, v23;
	v23 =	vld [tilespmem:s0+$0xFFFFFFF0]  }
0x43: {  	v31 =	vld [tilespmem:s0+$0x0];
	v21 =	vmax.f32 v21, v24  }
0x44: {  	v32 =	vld [tilespmem:s0+$0x10];
	v21 =	vmax.f32 v21, v25  }
0x45: {  	v33 =	vld [tilespmem:s0+$0x20];
	v21 =	vmax.f32 v21, v26  }
0x46: {  	v21 =	vmax.f32 v21, v22;
	v22 =	vld [tilespmem:s0+$0x30]  }
0x47: {  	v21 =	vmax.f32 v21, v23;
	v23 =	vld [tilespmem:s0+$0x40]  }
0x48: {  	v34 =	vld [tilespmem:s0+$0x50];
	v21 =	vmax.f32 v21, v31  }
0x49: {  	v35 =	vld [tilespmem:s0+$0x60];
	v21 =	vmax.f32 v21, v32  }
0x4a: {  	v36 =	vld [tilespmem:s0+$0x70];
	v21 =	vmax.f32 v21, v33  }
0x4b: {  	v21 =	vmax.f32 v21, v22  }
0x4c: {  	v21 =	vmax.f32 v21, v23  }
0x4d: {  	v21 =	vmax.f32 v21, v34  }
0x4e: {  	v21 =	vmax.f32 v21, v35  }
0x4f: {  	v21 =	vmax.f32 v21, v36  }
0x50: {  	(xrf0) =	vmax.scan.msk.f32 $0xffff, v21;
	_ =	sdelay $0x2  }
0x51: {  	s5 =	sand.u32 $0x70, s1  }
0x52: {  	v21 =	vld [tilespmem:s5+$0x6400];
	_ =	sdelay $0x1  }
0x53: {  	s12 =	sand.u32 $0xF, s1;
	v22, _, _ =	vpop (xrf0)  }
0x54: {  	v23 =	vmov s12;
	v22 =	vbroadcast v22, $0xF  }
0x55: {  	vm1 =	veq.s32 v23, v0  }
0x56: {  	v21 =	vsel vm1, v22, v21  }
0x57: {  	[tilespmem:s5+$0x6400] =	vst v21  }
0x58: {  	v22 =	vld [tilespmem:$0x6410]  }
0x59: {  	v23 =	vld [tilespmem:$0x6400]  }
0x5a: {  	v37 =	vld [tilespmem:$0x6420]  }
0x5b: {  	v38 =	vld [tilespmem:$0x6430]  }
0x5c: {  	v39 =	vld [tilespmem:$0x6440]  }
0x5d: {  	v27 =	vld [tilespmem:$0x6450]  }
0x5e: {  	v28 =	vld [tilespmem:$0x6460];
	v21 =	vmax.f32 v23, v22  }
0x5f: {  	v21 =	vmax.f32 v21, v37  }
0x60: {  	v21 =	vmax.f32 v21, v38  }
0x61: {  	v21 =	vmax.f32 v21, v39  }
0x62: {  	v21 =	vmax.f32 v21, v27  }
0x63: {  	v21 =	vmax.f32 v21, v28  }
0x64: {  	(xrf0) =	vmax.scan.msk.f32 $0xffff, v21;
	_ =	sdelay $0x5  }
0x65: {  	v21, _, _ =	vpop (xrf0)  }
0x66: {  	v21 =	vbroadcast v21, $0xF;
	_ =	sdelay $0x1  }
0x67: {  	vm1 =	veq.f32 v23, v21  }
0x68: {  	vm2 =	veq.f32 v22, v21;
	v22 =	vnsel vm1, $0xC0000000, v15  }
0x69: {  	v23 =	vnsel vm2, $0xC0000000, v1;
	(xrf0) =	vmin.scan.msk.u32 $0xffff, v22  }
0x6a: {  	vm1 =	veq.f32 v37, v21;
	(xrf0) =	vmin.scan.msk.u32 $0xffff, v23  }
0x6b: {  	v22 =	vnsel vm1, $0xC0000000, v2;
	vm1 =	veq.f32 v38, v21  }
0x6c: {  	(xrf0) =	vmin.scan.msk.u32 $0xffff, v22;
	v22 =	vnsel vm1, $0xC0000000, v3;
	vm1 =	veq.f32 v39, v21  }
0x6d: {  	(xrf0) =	vmin.scan.msk.u32 $0xffff, v22;
	v22 =	vnsel vm1, $0xC0000000, v4;
	_ =	sdelay $0x1  }
0x6e: {  	v23, _, _ =	vpop (xrf0)  }
0x6f: {  	vm1 =	veq.f32 v27, v21;
	(xrf0) =	vmin.scan.msk.u32 $0xffff, v22;
	(v2sf) =	vpush v23, $0xF;
	v22, _, _ =	vpop (xrf0)  }
0x70: {  	v23 =	vnsel vm1, $0xC0000000, v5;
	(v2sf) =	vpush v22, $0xF  }
0x71: {  	vm1 =	veq.f32 v28, v21;
	(xrf0) =	vmin.scan.msk.u32 $0xffff, v23;
	v22, _, _ =	vpop (xrf0)  }
0x72: {  	v23 =	vnsel vm1, $0xC0000000, v6;
	(v2sf) =	vpush v22, $0xF  }
0x73: {  	(xrf0) =	vmin.scan.msk.u32 $0xffff, v23;
	v22, _, _ =	vpop (xrf0)  }
0x74: {  	(v2sf) =	vpush v22, $0xF  }
0x75: {  	v22, _, _ =	vpop (xrf0)  }
0x76: {  	(v2sf) =	vpush v22, $0xF  }
0x77: {  	v22, _, _ =	vpop (xrf0)  }
0x78: {  	(v2sf) =	vpush v22, $0xF  }
0x79: {  	v22, _, _ =	vpop (xrf0)  }
0x7a: {  	(v2sf) =	vpush v22, $0xF;
	_ =	sdelay $0x3  }
0x7b: {  	s13 =	spop (v2sf)  }
0x7c: {  	s14 =	spop (v2sf)  }
0x7d: {  	s0 =	sxor.u32 $0x80000000, s13;
	s1 =	sxor.u32 $0x80000000, s14  }
0x7e: {  	s5 =	spop (v2sf);
	p0 =	slt.s32 s0, s1  }
0x7f: {  	s1 =	smov.u32 @p0 s0;
	s0 =	sxor.u32 $0x80000000, s5  }
0x80: {  	s31 =	spop (v2sf);
	p0 =	slt.s32 s1, s0  }
0x81: {  	s0 =	smov.u32 @p0 s1;
	s1 =	sxor.u32 $0x80000000, s31  }
0x82: {  	s12 =	spop (v2sf);
	p0 =	slt.s32 s0, s1  }
0x83: {  	s1 =	smov.u32 @p0 s0;
	s0 =	sxor.u32 $0x80000000, s12  }
0x84: {  	s13 =	spop (v2sf);
	p0 =	slt.s32 s1, s0  }
0x85: {  	s0 =	smov.u32 @p0 s1;
	s1 =	sxor.u32 $0x80000000, s13  }
0x86: {  	s14 =	spop (v2sf);
	p0 =	slt.s32 s0, s1  }
0x87: {  	s1 =	smov.u32 @p0 s0;
	s0 =	sxor.u32 $0x80000000, s14  }
0x88: {  	p0 =	slt.s32 s1, s0  }
0x89: {  	s0 =	smov.u32 @p0 s1  }
0x8a: {  	p1 =	slt.s32 s0, $0x40000000  }
0x8b: {  	p0 =	slt.s32 s0, $0x1;
	s0 =	simm.s32 @!p1 $0x40000000  }
0x8c: {  	s1 =	sshll.u32 s0, $0x8  }
0x8d: {  	v22 =	vld [tilespmem:s1+$0x0]  }
0x8e: {  	v23 =	vld [tilespmem:s1+$0x10];
	_ =	sdelay $0x1  }
0x8f: {  	v40 =	vld [tilespmem:s1+$0x20];
	_ =	sdelay $0x1  }
0x90: {  	vm1 =	veq.f32 v22, v21;
	v22 =	vld [tilespmem:s1+$0x30]  }
0x91: {  	v41 =	vnsel vm1, $0xC0000000, v15;
	vm1 =	veq.f32 v23, v21  }
0x92: {  	v42 =	vld [tilespmem:s1+$0x40];
	v23 =	vnsel vm1, $0xC0000000, v1;
	(xrf0) =	vmin.scan.msk.u32 $0xffff, v41  }
0x93: {  	vm1 =	veq.f32 v40, v21;
	(xrf0) =	vmin.scan.msk.u32 $0xffff, v23  }
0x94: {  	v43 =	vld [tilespmem:s1+$0x50];
	v23 =	vnsel vm1, $0xC0000000, v2  }
0x95: {  	(xrf0) =	vmin.scan.msk.u32 $0xffff, v23;
	vm1 =	veq.f32 v22, v21  }
0x96: {  	v23 =	vld [tilespmem:s1+$0x60];
	v22 =	vnsel vm1, $0xC0000000, v3  }
0x97: {  	vm1 =	veq.f32 v42, v21;
	(xrf0) =	vmin.scan.msk.u32 $0xffff, v22  }
0x98: {  	v44 =	vld [tilespmem:s1+$0x70];
	v22 =	vnsel vm1, $0xC0000000, v4;
	v45, _, _ =	vpop (xrf0)  }
0x99: {  	vm1 =	veq.f32 v43, v21;
	(xrf0) =	vmin.scan.msk.u32 $0xffff, v22;
	(v2sf) =	vpush v45, $0xF;
	v46, _, _ =	vpop (xrf0)  }
0x9a: {  	v47 =	vld [tilespmem:s1+$0x80];
	v22 =	vnsel vm1, $0xC0000000, v5;
	(v2sf) =	vpush v46, $0xF  }
0x9b: {  	vm1 =	veq.f32 v23, v21;
	(xrf0) =	vmin.scan.msk.u32 $0xffff, v22;
	v23, _, _ =	vpop (xrf0)  }
0x9c: {  	v48 =	vld [tilespmem:s1+$0x90];
	v22 =	vnsel vm1, $0xC0000000, v6;
	(v2sf) =	vpush v23, $0xF  }
0x9d: {  	vm1 =	veq.f32 v44, v21;
	(xrf0) =	vmin.scan.msk.u32 $0xffff, v22;
	v23, _, _ =	vpop (xrf0)  }
0x9e: {  	v49 =	vld [tilespmem:s1+$0xA0];
	v22 =	vnsel vm1, $0xC0000000, v7;
	(v2sf) =	vpush v23, $0xF  }
0x9f: {  	vm1 =	veq.f32 v47, v21;
	v23, _, _ =	vpop (xrf0);
	(xrf0) =	vmin.scan.msk.u32 $0xffff, v22  }
0xa0: {  	v50 =	vld [tilespmem:s1+$0xB0];
	v22 =	vnsel vm1, $0xC0000000, v8;
	(v2sf) =	vpush v23, $0xF  }
0xa1: {  	vm1 =	veq.f32 v48, v21;
	v23, _, _ =	vpop (xrf0);
	(xrf0) =	vmin.scan.msk.u32 $0xffff, v22  }
0xa2: {  	v51 =	vld [tilespmem:s1+$0xC0];
	v22 =	vnsel vm1, $0xC0000000, v9;
	(v2sf) =	vpush v23, $0xF  }
0xa3: {  	vm1 =	veq.f32 v49, v21;
	v23, _, _ =	vpop (xrf0);
	(xrf0) =	vmin.scan.msk.u32 $0xffff, v22  }
0xa4: {  	v52 =	vld [tilespmem:s1+$0xD0];
	v22 =	vnsel vm1, $0xC0000000, v10;
	(v2sf) =	vpush v23, $0xF  }
0xa5: {  	vm1 =	veq.f32 v50, v21;
	v23, _, _ =	vpop (xrf0);
	(xrf0) =	vmin.scan.msk.u32 $0xffff, v22  }
0xa6: {  	v53 =	vld [tilespmem:s1+$0xE0];
	v22 =	vnsel vm1, $0xC0000000, v11;
	(v2sf) =	vpush v23, $0xF  }
0xa7: {  	vm1 =	veq.f32 v51, v21;
	v23, _, _ =	vpop (xrf0);
	(xrf0) =	vmin.scan.msk.u32 $0xffff, v22  }
0xa8: {  	v54 =	vld [tilespmem:s1+$0xF0];
	v22 =	vnsel vm1, $0xC0000000, v12;
	s31 =	spop (v2sf);
	(v2sf) =	vpush v23, $0xF  }
0xa9: {  	vm1 =	veq.f32 v52, v21;
	v23, _, _ =	vpop (xrf0);
	(xrf0) =	vmin.scan.msk.u32 $0xffff, v22;
	s12 =	spop (v2sf)  }
0xaa: {  	v22 =	vnsel vm1, $0xC0000000, v13;
	s5 =	sxor.u32 $0x80000000, s31;
	(v2sf) =	vpush v23, $0xF;
	s12 =	sxor.u32 $0x80000000, s12  }
0xab: {  	vm1 =	veq.f32 v53, v21;
	s31 =	spop (v2sf);
	v23, _, _ =	vpop (xrf0);
	(xrf0) =	vmin.scan.msk.u32 $0xffff, v22;
	p1 =	slt.s32 s5, s12  }
0xac: {  	v22 =	vnsel vm1, $0xC0000000, v16;
	(v2sf) =	vpush v23, $0xF;
	s12 =	smov.u32 @p1 s5;
	s5 =	sxor.u32 $0x80000000, s31  }
0xad: {  	vm1 =	veq.f32 v54, v21;
	v21, _, _ =	vpop (xrf0);
	(xrf0) =	vmin.scan.msk.u32 $0xffff, v22;
	p1 =	slt.s32 s12, s5;
	s13 =	spop (v2sf)  }
0xae: {  	v22 =	vnsel vm1, $0xC0000000, v17;
	(v2sf) =	vpush v21, $0xF;
	s5 =	smov.u32 @p1 s12;
	s12 =	sxor.u32 $0x80000000, s13  }
0xaf: {  	s14 =	spop (v2sf);
	v21, _, _ =	vpop (xrf0);
	(xrf0) =	vmin.scan.msk.u32 $0xffff, v22;
	p1 =	slt.s32 s5, s12  }
0xb0: {  	(v2sf) =	vpush v21, $0xF;
	s12 =	smov.u32 @p1 s5;
	s5 =	sxor.u32 $0x80000000, s14  }
0xb1: {  	s13 =	spop (v2sf);
	v21, _, _ =	vpop (xrf0);
	p1 =	slt.s32 s12, s5  }
0xb2: {  	(v2sf) =	vpush v21, $0xF;
	s5 =	smov.u32 @p1 s12;
	s12 =	sxor.u32 $0x80000000, s13  }
0xb3: {  	s14 =	spop (v2sf);
	v21, _, _ =	vpop (xrf0);
	p1 =	slt.s32 s5, s12  }
0xb4: {  	(v2sf) =	vpush v21, $0xF;
	s12 =	smov.u32 @p1 s5;
	s5 =	sxor.u32 $0x80000000, s14  }
0xb5: {  	s13 =	spop (v2sf);
	v21, _, _ =	vpop (xrf0);
	p1 =	slt.s32 s12, s5  }
0xb6: {  	(v2sf) =	vpush v21, $0xF;
	s5 =	smov.u32 @p1 s12;
	s12 =	sxor.u32 $0x80000000, s13  }
0xb7: {  	p1 =	slt.s32 s5, s12;
	s14 =	spop (v2sf)  }
0xb8: {  	s12 =	smov.u32 @p1 s5;
	s5 =	sxor.u32 $0x80000000, s14  }
0xb9: {  	s13 =	spop (v2sf);
	p1 =	slt.s32 s12, s5  }
0xba: {  	s5 =	smov.u32 @p1 s12;
	s12 =	sxor.u32 $0x80000000, s13  }
0xbb: {  	s14 =	spop (v2sf);
	p1 =	slt.s32 s5, s12  }
0xbc: {  	s12 =	smov.u32 @p1 s5;
	s5 =	sxor.u32 $0x80000000, s14  }
0xbd: {  	s13 =	spop (v2sf);
	p1 =	slt.s32 s12, s5  }
0xbe: {  	s5 =	smov.u32 @p1 s12;
	s12 =	sxor.u32 $0x80000000, s13  }
0xbf: {  	s14 =	spop (v2sf);
	p1 =	slt.s32 s5, s12  }
0xc0: {  	s12 =	smov.u32 @p1 s5;
	s5 =	sxor.u32 $0x80000000, s14  }
0xc1: {  	s13 =	spop (v2sf);
	p1 =	slt.s32 s12, s5  }
0xc2: {  	s5 =	smov.u32 @p1 s12;
	s12 =	sxor.u32 $0x80000000, s13  }
0xc3: {  	s14 =	spop (v2sf);
	p1 =	slt.s32 s5, s12  }
0xc4: {  	s12 =	smov.u32 @p1 s5;
	s5 =	sxor.u32 $0x80000000, s14  }
0xc5: {  	s13 =	spop (v2sf);
	p1 =	slt.s32 s12, s5  }
0xc6: {  	s5 =	smov.u32 @p1 s12;
	s12 =	sxor.u32 $0x80000000, s13  }
0xc7: {  	p1 =	slt.s32 s5, s12  }
0xc8: {  	s12 =	smov.u32 @p1 s5  }
0xc9: {  	p1 =	slt.s32 s12, $0x40000000  }
0xca: {  	s5 =	sand.u32 $0x70, s30;
	s12 =	simm.s32 @!p1 $0x40000000  }
0xcb: {  	v21 =	vld [tilespmem:s5+$0x6480];
	s31 =	sadd.s32 s1, s12;
	s12 =	sand.u32 $0xF, s12  }
0xcc: {  	s13 =	sshra.s32 s31, $0x1F;
	p5 =	slt.s32 s31, $0x1;
	p2 =	sne.s32 s12, $0x0  }
0xcd: {  	s14 =	sand.u32 $0xF, s30;
	p1 =	por !p5, !p2;
	s13 =	sshrl.u32 s13, $0x1C  }
0xce: {  	v22 =	vmov s14;
	s14 =	sadd.s32 s13, s31;
	p1 =	por !p1, !p1;
	s13 =	simm.s32 $0x1  }
0xcf: {  	vm1 =	veq.s32 v22, v0;
	s12 =	sshrl.u32 s14, $0x4;
	s13 =	simm.s32 @!p1 $0x0  }
0xd0: {  	v21 =	vsel vm1, s31, v21;
	s12 =	ssub.s32 s12, s13  }
0xd1: {  	[tilespmem:s5+$0x6480] =	vst v21;
	s14 =	sshll.u32 s12, $0x4  }
0xd2: {  	v21 =	vld [tilespmem:s14+$0x0];
	_ =	sdelay $0x1  }
0xd3: {  	s12 =	ssub.s32 s31, s14  }
0xd4: {  	v22 =	vmov s12  }
0xd5: {  	vm1 =	veq.s32 v22, v0  }
0xd6: {  	v21 =	vsel vm1, $0xBF800000, v21  }
0xd7: {  	[tilespmem:s14+$0x0] =	vst v21  }
0xd8: {  	v21 =	vld [tilespmem:s1+$0x0]  }
0xd9: {  	v22 =	vld [tilespmem:s1+$0x10]  }
0xda: {  	v23 =	vld [tilespmem:s1+$0x20]  }
0xdb: {  	v55 =	vld [tilespmem:s1+$0x30]  }
0xdc: {  	v56 =	vld [tilespmem:s1+$0x40]  }
0xdd: {  	v57 =	vld [tilespmem:s1+$0x50]  }
0xde: {  	v21 =	vmax.f32 v21, v22;
	v22 =	vld [tilespmem:s1+$0x60]  }
0xdf: {  	v21 =	vmax.f32 v21, v23;
	v23 =	vld [tilespmem:s1+$0x70]  }
0xe0: {  	v58 =	vld [tilespmem:s1+$0x80];
	v21 =	vmax.f32 v21, v55  }
0xe1: {  	v59 =	vld [tilespmem:s1+$0x90];
	v21 =	vmax.f32 v21, v56  }
0xe2: {  	v60 =	vld [tilespmem:s1+$0xA0];
	v21 =	vmax.f32 v21, v57  }
0xe3: {  	v21 =	vmax.f32 v21, v22;
	v22 =	vld [tilespmem:s1+$0xB0]  }
0xe4: {  	v21 =	vmax.f32 v21, v23;
	v23 =	vld [tilespmem:s1+$0xC0]  }
0xe5: {  	v61 =	vld [tilespmem:s1+$0xD0];
	v21 =	vmax.f32 v21, v58  }
0xe6: {  	v62 =	vld [tilespmem:s1+$0xE0];
	v21 =	vmax.f32 v21, v59  }
0xe7: {  	v63 =	vld [tilespmem:s1+$0xF0];
	v21 =	vmax.f32 v21, v60  }
0xe8: {  	v21 =	vmax.f32 v21, v22  }
0xe9: {  	v21 =	vmax.f32 v21, v23  }
0xea: {  	s12 =	sand.u32 $0xF, s0;
	v21 =	vmax.f32 v21, v61  }
0xeb: {  	s13 =	sshra.s32 s0, $0x1F;
	p6 =	sne.s32 s12, $0x0;
	v21 =	vmax.f32 v21, v62  }
0xec: {  	p0 =	por !p0, !p6;
	s14 =	sshrl.u32 s13, $0x1C;
	v21 =	vmax.f32 v21, v63  }
0xed: {  	s5 =	simm.s32 $0x1;
	p0 =	por !p0, !p0;
	s31 =	sadd.s32 s14, s0;
	(xrf0) =	vmax.scan.msk.f32 $0xffff, v21  }
0xee: {  	s5 =	simm.s32 @!p0 $0x0;
	s1 =	sshrl.u32 s31, $0x4  }
0xef: {  	s1 =	ssub.s32 s1, s5  }
0xf0: {  	s5 =	sshll.u32 s1, $0x4  }
0xf1: {  	s0 =	ssub.s32 s0, s5;
	v21 =	vld [tilespmem:s5+$0x6400]  }
0xf2: {  	s30 =	simm.s32 $0x1;
	v22 =	vmov s0  }
.LBB2_5:
0xf3: {  	p0 =	sne.s32 s30, $0x7F;
	v23, _, _ =	vpop (xrf0);
	s31 =	smov.u32 s30;
	s30 =	sadd.s32 $0x1, s30  }
0xf4: {  	v23 =	vbroadcast v23, $0xF  }
0xf5: {  	vm1 =	veq.s32 v22, v0  }
0xf6: {  	v21 =	vsel vm1, v23, v21  }
0xf7: {  	[tilespmem:s5+$0x6400] =	vst v21;
	_ =	sdelay $0x1  }
0xf8: {  	v22 =	vld [tilespmem:$0x6410]  }
0xf9: {  	v23 =	vld [tilespmem:$0x6400]  }
0xfa: {  	v24 =	vld [tilespmem:$0x6420]  }
0xfb: {  	v25 =	vld [tilespmem:$0x6430]  }
0xfc: {  	v26 =	vld [tilespmem:$0x6440]  }
0xfd: {  	v27 =	vld [tilespmem:$0x6450]  }
0xfe: {  	v21 =	vmax.f32 v23, v22;
	v28 =	vld [tilespmem:$0x6460]  }
0xff: {  	v21 =	vmax.f32 v21, v24  }
0x100: {  	v21 =	vmax.f32 v21, v25  }
0x101: {  	v21 =	vmax.f32 v21, v26  }
0x102: {  	v21 =	vmax.f32 v21, v27  }
0x103: {  	v21 =	vmax.f32 v21, v28  }
0x104: {  	(xrf0) =	vmax.scan.msk.f32 $0xffff, v21;
	_ =	sdelay $0x5  }
0x105: {  	v21, _, _ =	vpop (xrf0)  }
0x106: {  	v21 =	vbroadcast v21, $0xF;
	_ =	sdelay $0x1  }
0x107: {  	vm1 =	veq.f32 v23, v21;
	vm2 =	veq.f32 v22, v21;
	vm3 =	veq.f32 v24, v21  }
0x108: {  	v22 =	vnsel vm1, $0xC0000000, v15;
	v23 =	vnsel vm2, $0xC0000000, v1;
	v24 =	vnsel vm3, $0xC0000000, v2  }
0x109: {  	vm1 =	veq.f32 v25, v21;
	vm2 =	veq.f32 v26, v21;
	vm3 =	veq.f32 v27, v21;
	(xrf0) =	vmin.scan.msk.u32 $0xffff, v22  }
0x10a: {  	v22 =	vnsel vm1, $0xC0000000, v3;
	v25 =	vnsel vm2, $0xC0000000, v4;
	v26 =	vnsel vm3, $0xC0000000, v5;
	(xrf0) =	vmin.scan.msk.u32 $0xffff, v23  }
0x10b: {  	vm1 =	veq.f32 v28, v21;
	(xrf0) =	vmin.scan.msk.u32 $0xffff, v24  }
0x10c: {  	v23 =	vnsel vm1, $0xC0000000, v6;
	(xrf0) =	vmin.scan.msk.u32 $0xffff, v22  }
0x10d: {  	(xrf0) =	vmin.scan.msk.u32 $0xffff, v25  }
0x10e: {  	(xrf0) =	vmin.scan.msk.u32 $0xffff, v26  }
0x10f: {  	v22, _, _ =	vpop (xrf0);
	(xrf0) =	vmin.scan.msk.u32 $0xffff, v23  }
0x110: {  	(v2sf) =	vpush v22, $0xF;
	v22, _, _ =	vpop (xrf0)  }
0x111: {  	(v2sf) =	vpush v22, $0xF;
	v22, _, _ =	vpop (xrf0)  }
0x112: {  	(v2sf) =	vpush v22, $0xF;
	v22, _, _ =	vpop (xrf0)  }
0x113: {  	(v2sf) =	vpush v22, $0xF;
	v22, _, _ =	vpop (xrf0)  }
0x114: {  	(v2sf) =	vpush v22, $0xF;
	v22, _, _ =	vpop (xrf0)  }
0x115: {  	(v2sf) =	vpush v22, $0xF;
	v22, _, _ =	vpop (xrf0)  }
0x116: {  	(v2sf) =	vpush v22, $0xF;
	_ =	sdelay $0x8  }
0x117: {  	s0 =	spop (v2sf)  }
0x118: {  	s1 =	spop (v2sf)  }
0x119: {  	s0 =	sxor.u32 $0x80000000, s0;
	s1 =	sxor.u32 $0x80000000, s1;
	s5 =	spop (v2sf)  }
0x11a: {  	p1 =	slt.s32 s0, s1;
	s12 =	spop (v2sf)  }
0x11b: {  	s1 =	smov.u32 @p1 s0;
	s0 =	sxor.u32 $0x80000000, s5;
	s5 =	spop (v2sf)  }
0x11c: {  	p1 =	slt.s32 s1, s0;
	s13 =	spop (v2sf)  }
0x11d: {  	s0 =	smov.u32 @p1 s1;
	s1 =	sxor.u32 $0x80000000, s12;
	s12 =	spop (v2sf)  }
0x11e: {  	p1 =	slt.s32 s0, s1  }
0x11f: {  	s1 =	smov.u32 @p1 s0;
	s0 =	sxor.u32 $0x80000000, s5  }
0x120: {  	p1 =	slt.s32 s1, s0  }
0x121: {  	s0 =	smov.u32 @p1 s1;
	s1 =	sxor.u32 $0x80000000, s13  }
0x122: {  	p1 =	slt.s32 s0, s1  }
0x123: {  	s5 =	sxor.u32 $0x80000000, s12;
	s1 =	smov.u32 @p1 s0  }
0x124: {  	p1 =	slt.s32 s1, s5  }
0x125: {  	s5 =	smov.u32 @p1 s1  }
0x126: {  	p1 =	slt.s32 s5, $0x40000000;
	s1 =	smov.u32 s5  }
0x127: {  	s1 =	simm.s32 @!p1 $0x40000000  }
0x128: {  	s0 =	sshll.u32 s1, $0x8;
	s12 =	sshra.s32 s1, $0x1F;
	s13 =	sand.u32 $0xF, s1  }
0x129: {  	p1 =	slt.s32 s5, $0x1;
	v22 =	vld [tilespmem:s0+$0x0];
	s12 =	sshrl.u32 s12, $0x1C;
	p2 =	sne.s32 s13, $0x0  }
0x12a: {  	v23 =	vld [tilespmem:s0+$0x10];
	s5 =	sadd.s32 s12, s1;
	p1 =	por !p1, !p2  }
0x12b: {  	s12 =	simm.s32 $0x1;
	p1 =	por !p1, !p1  }
0x12c: {  	s5 =	sshrl.u32 s5, $0x4;
	v24 =	vld [tilespmem:s0+$0x20];
	s12 =	simm.s32 @!p1 $0x0  }
0x12d: {  	s5 =	ssub.s32 s5, s12  }
0x12e: {  	vm1 =	veq.f32 v22, v21;
	v22 =	vld [tilespmem:s0+$0x30]  }
0x12f: {  	v25 =	vnsel vm1, $0xC0000000, v15;
	vm1 =	veq.f32 v23, v21  }
0x130: {  	v23 =	vnsel vm1, $0xC0000000, v1;
	v26 =	vld [tilespmem:s0+$0x40];
	(xrf0) =	vmin.scan.msk.u32 $0xffff, v25  }
0x131: {  	vm1 =	veq.f32 v24, v21;
	(xrf0) =	vmin.scan.msk.u32 $0xffff, v23  }
0x132: {  	v23 =	vnsel vm1, $0xC0000000, v2;
	v24 =	vld [tilespmem:s0+$0x50]  }
0x133: {  	vm1 =	veq.f32 v22, v21;
	(xrf0) =	vmin.scan.msk.u32 $0xffff, v23  }
0x134: {  	v22 =	vnsel vm1, $0xC0000000, v3;
	v23 =	vld [tilespmem:s0+$0x60]  }
0x135: {  	vm1 =	veq.f32 v26, v21;
	(xrf0) =	vmin.scan.msk.u32 $0xffff, v22  }
0x136: {  	v22 =	vnsel vm1, $0xC0000000, v4;
	v25 =	vld [tilespmem:s0+$0x70];
	v26, _, _ =	vpop (xrf0)  }
0x137: {  	vm1 =	veq.f32 v24, v21;
	(v2sf) =	vpush v26, $0xF;
	v24, _, _ =	vpop (xrf0);
	(xrf0) =	vmin.scan.msk.u32 $0xffff, v22  }
0x138: {  	v22 =	vnsel vm1, $0xC0000000, v5;
	v26 =	vld [tilespmem:s0+$0x80];
	(v2sf) =	vpush v24, $0xF  }
0x139: {  	vm1 =	veq.f32 v23, v21;
	v23, _, _ =	vpop (xrf0);
	(xrf0) =	vmin.scan.msk.u32 $0xffff, v22  }
0x13a: {  	v22 =	vnsel vm1, $0xC0000000, v6;
	v24 =	vld [tilespmem:s0+$0x90];
	(v2sf) =	vpush v23, $0xF  }
0x13b: {  	vm1 =	veq.f32 v25, v21;
	v23, _, _ =	vpop (xrf0);
	(xrf0) =	vmin.scan.msk.u32 $0xffff, v22  }
0x13c: {  	v22 =	vnsel vm1, $0xC0000000, v7;
	v25 =	vld [tilespmem:s0+$0xA0];
	(v2sf) =	vpush v23, $0xF  }
0x13d: {  	vm1 =	veq.f32 v26, v21;
	v23, _, _ =	vpop (xrf0);
	(xrf0) =	vmin.scan.msk.u32 $0xffff, v22  }
0x13e: {  	v22 =	vnsel vm1, $0xC0000000, v8;
	v26 =	vld [tilespmem:s0+$0xB0];
	(v2sf) =	vpush v23, $0xF  }
0x13f: {  	vm1 =	veq.f32 v24, v21;
	v23, _, _ =	vpop (xrf0);
	(xrf0) =	vmin.scan.msk.u32 $0xffff, v22  }
0x140: {  	v22 =	vnsel vm1, $0xC0000000, v9;
	v24 =	vld [tilespmem:s0+$0xC0];
	(v2sf) =	vpush v23, $0xF  }
0x141: {  	vm1 =	veq.f32 v25, v21;
	v23, _, _ =	vpop (xrf0);
	(xrf0) =	vmin.scan.msk.u32 $0xffff, v22  }
0x142: {  	v22 =	vnsel vm1, $0xC0000000, v10;
	v25 =	vld [tilespmem:s0+$0xD0];
	(v2sf) =	vpush v23, $0xF  }
0x143: {  	vm1 =	veq.f32 v26, v21;
	v23, _, _ =	vpop (xrf0);
	(xrf0) =	vmin.scan.msk.u32 $0xffff, v22  }
0x144: {  	v22 =	vnsel vm1, $0xC0000000, v11;
	v26 =	vld [tilespmem:s0+$0xE0];
	(v2sf) =	vpush v23, $0xF  }
0x145: {  	vm1 =	veq.f32 v24, v21;
	v23, _, _ =	vpop (xrf0);
	(xrf0) =	vmin.scan.msk.u32 $0xffff, v22  }
0x146: {  	v22 =	vnsel vm1, $0xC0000000, v12;
	v24 =	vld [tilespmem:s0+$0xF0];
	s12 =	spop (v2sf);
	(v2sf) =	vpush v23, $0xF  }
0x147: {  	vm1 =	veq.f32 v25, v21;
	s13 =	spop (v2sf);
	v23, _, _ =	vpop (xrf0);
	(xrf0) =	vmin.scan.msk.u32 $0xffff, v22  }
0x148: {  	s12 =	sxor.u32 $0x80000000, s12;
	s13 =	sxor.u32 $0x80000000, s13;
	v22 =	vnsel vm1, $0xC0000000, v13;
	(v2sf) =	vpush v23, $0xF  }
0x149: {  	p1 =	slt.s32 s12, s13;
	vm1 =	veq.f32 v26, v21;
	s14 =	spop (v2sf);
	v23, _, _ =	vpop (xrf0);
	(xrf0) =	vmin.scan.msk.u32 $0xffff, v22  }
0x14a: {  	s13 =	smov.u32 @p1 s12;
	s12 =	sxor.u32 $0x80000000, s14;
	v22 =	vnsel vm1, $0xC0000000, v16;
	(v2sf) =	vpush v23, $0xF  }
0x14b: {  	p1 =	slt.s32 s13, s12;
	vm1 =	veq.f32 v24, v21;
	s14 =	spop (v2sf);
	v21, _, _ =	vpop (xrf0);
	(xrf0) =	vmin.scan.msk.u32 $0xffff, v22  }
0x14c: {  	s12 =	smov.u32 @p1 s13;
	s13 =	sxor.u32 $0x80000000, s14;
	v22 =	vnsel vm1, $0xC0000000, v17;
	(v2sf) =	vpush v21, $0xF  }
0x14d: {  	p1 =	slt.s32 s12, s13;
	s14 =	spop (v2sf);
	v21, _, _ =	vpop (xrf0);
	(xrf0) =	vmin.scan.msk.u32 $0xffff, v22  }
0x14e: {  	s13 =	smov.u32 @p1 s12;
	s12 =	sxor.u32 $0x80000000, s14;
	(v2sf) =	vpush v21, $0xF  }
0x14f: {  	p1 =	slt.s32 s13, s12;
	s14 =	spop (v2sf);
	v21, _, _ =	vpop (xrf0)  }
0x150: {  	s12 =	smov.u32 @p1 s13;
	s13 =	sxor.u32 $0x80000000, s14;
	(v2sf) =	vpush v21, $0xF  }
0x151: {  	p1 =	slt.s32 s12, s13;
	s14 =	spop (v2sf);
	v21, _, _ =	vpop (xrf0)  }
0x152: {  	s13 =	smov.u32 @p1 s12;
	s12 =	sxor.u32 $0x80000000, s14;
	(v2sf) =	vpush v21, $0xF  }
0x153: {  	p1 =	slt.s32 s13, s12;
	s14 =	spop (v2sf);
	v21, _, _ =	vpop (xrf0)  }
0x154: {  	s12 =	smov.u32 @p1 s13;
	s13 =	sxor.u32 $0x80000000, s14;
	(v2sf) =	vpush v21, $0xF  }
0x155: {  	p1 =	slt.s32 s12, s13;
	s14 =	spop (v2sf)  }
0x156: {  	s13 =	smov.u32 @p1 s12;
	s12 =	sxor.u32 $0x80000000, s14  }
0x157: {  	p1 =	slt.s32 s13, s12;
	s14 =	spop (v2sf)  }
0x158: {  	s12 =	smov.u32 @p1 s13;
	s13 =	sxor.u32 $0x80000000, s14  }
0x159: {  	p1 =	slt.s32 s12, s13;
	s14 =	spop (v2sf)  }
0x15a: {  	s13 =	smov.u32 @p1 s12;
	s12 =	sxor.u32 $0x80000000, s14  }
0x15b: {  	p1 =	slt.s32 s13, s12;
	s14 =	spop (v2sf)  }
0x15c: {  	s12 =	smov.u32 @p1 s13;
	s13 =	sxor.u32 $0x80000000, s14  }
0x15d: {  	p1 =	slt.s32 s12, s13;
	s14 =	spop (v2sf)  }
0x15e: {  	s13 =	smov.u32 @p1 s12;
	s12 =	sxor.u32 $0x80000000, s14  }
0x15f: {  	p1 =	slt.s32 s13, s12;
	s14 =	spop (v2sf)  }
0x160: {  	s12 =	smov.u32 @p1 s13;
	s13 =	sxor.u32 $0x80000000, s14  }
0x161: {  	p1 =	slt.s32 s12, s13;
	s14 =	spop (v2sf)  }
0x162: {  	s13 =	smov.u32 @p1 s12;
	s12 =	sxor.u32 $0x80000000, s14  }
0x163: {  	p1 =	slt.s32 s13, s12;
	s14 =	spop (v2sf)  }
0x164: {  	s12 =	smov.u32 @p1 s13;
	s13 =	sxor.u32 $0x80000000, s14;
	s14 =	sand.u32 $0x70, s31  }
0x165: {  	p1 =	slt.s32 s12, s13;
	v21 =	vld [tilespmem:s14+$0x6480]  }
0x166: {  	s13 =	smov.u32 @p1 s12  }
0x167: {  	s12 =	sand.u32 $0xF, s31;
	p1 =	slt.s32 s13, $0x40000000  }
0x168: {  	v22 =	vmov s12;
	s13 =	simm.s32 @!p1 $0x40000000  }
0x169: {  	vm1 =	veq.s32 v22, v0;
	s12 =	sadd.s32 s0, s13;
	s13 =	sand.u32 $0xF, s13  }
0x16a: {  	v21 =	vsel vm1, s12, v21;
	s31 =	sshra.s32 s12, $0x1F;
	p1 =	slt.s32 s12, $0x1;
	p2 =	sne.s32 s13, $0x0  }
0x16b: {  	[tilespmem:s14+$0x6480] =	vst v21;
	s13 =	sshrl.u32 s31, $0x1C;
	p1 =	por !p1, !p2  }
0x16c: {  	s14 =	simm.s32 $0x1;
	s13 =	sadd.s32 s13, s12;
	p1 =	por !p1, !p1  }
0x16d: {  	s13 =	sshrl.u32 s13, $0x4;
	s14 =	simm.s32 @!p1 $0x0  }
0x16e: {  	s13 =	ssub.s32 s13, s14  }
0x16f: {  	s13 =	sshll.u32 s13, $0x4  }
0x170: {  	v21 =	vld [tilespmem:s13+$0x0];
	s12 =	ssub.s32 s12, s13;
	_ =	sdelay $0x2  }
0x171: {  	v22 =	vmov s12  }
0x172: {  	vm1 =	veq.s32 v22, v0  }
0x173: {  	v21 =	vsel vm1, $0xBF800000, v21  }
0x174: {  	[tilespmem:s13+$0x0] =	vst v21  }
0x175: {  	v21 =	vld [tilespmem:s0+$0x0]  }
0x176: {  	v22 =	vld [tilespmem:s0+$0x10]  }
0x177: {  	v23 =	vld [tilespmem:s0+$0x20]  }
0x178: {  	v24 =	vld [tilespmem:s0+$0x30]  }
0x179: {  	v25 =	vld [tilespmem:s0+$0x40]  }
0x17a: {  	v26 =	vld [tilespmem:s0+$0x50]  }
0x17b: {  	v21 =	vmax.f32 v21, v22;
	v22 =	vld [tilespmem:s0+$0x60]  }
0x17c: {  	v21 =	vmax.f32 v21, v23;
	v23 =	vld [tilespmem:s0+$0x70]  }
0x17d: {  	v21 =	vmax.f32 v21, v24;
	v24 =	vld [tilespmem:s0+$0x80]  }
0x17e: {  	v21 =	vmax.f32 v21, v25;
	v25 =	vld [tilespmem:s0+$0x90]  }
0x17f: {  	v21 =	vmax.f32 v21, v26;
	v26 =	vld [tilespmem:s0+$0xA0]  }
0x180: {  	v21 =	vmax.f32 v21, v22;
	v22 =	vld [tilespmem:s0+$0xB0]  }
0x181: {  	v21 =	vmax.f32 v21, v23;
	v23 =	vld [tilespmem:s0+$0xC0]  }
0x182: {  	v21 =	vmax.f32 v21, v24;
	v24 =	vld [tilespmem:s0+$0xD0]  }
0x183: {  	v21 =	vmax.f32 v21, v25;
	v25 =	vld [tilespmem:s0+$0xE0]  }
0x184: {  	v21 =	vmax.f32 v21, v26;
	v26 =	vld [tilespmem:s0+$0xF0]  }
0x185: {  	v21 =	vmax.f32 v21, v22  }
0x186: {  	v21 =	vmax.f32 v21, v23  }
0x187: {  	v21 =	vmax.f32 v21, v24  }
0x188: {  	v21 =	vmax.f32 v21, v25  }
0x189: {  	v21 =	vmax.f32 v21, v26  }
0x18a: {  	(xrf0) =	vmax.scan.msk.f32 $0xffff, v21  }
.Ltmp2:
0x18b: {  	(pc) =	sbr.rel @p0 .LBB2_5-.Ltmp2, $4  }
0x18c: {  	_ = 	snop  }
0x18d: {  	s5 =	sshll.u32 s5, $0x4  }
0x18e: {  	s0 =	ssub.s32 s1, s5;
	v21 =	vld [tilespmem:s5+$0x6400]  }
0x18f: {  	v22 =	vmov s0  }
0x190: {  	v23, _, _ =	vpop (xrf0)  }
0x191: {  	v23 =	vbroadcast v23, $0xF  }
0x192: {  	vm1 =	veq.s32 v22, v0  }
0x193: {  	v21 =	vsel vm1, v23, v21  }
0x194: {  	[tilespmem:s5+$0x6400] =	vst v21  }
0x195: {  	v21 =	vld [tilespmem:$0x6480];
	_ =	sdelay $0x4  }
0x196: {  	v22 =	vshll.u32 v21, $0x1  }
0x197: {  	v21 =	vand.u32 $0x7, v21;
	v22 =	vand.u32 $0xFFFFFFF0, v22  }
0x198: {  	v21 =	vor.u32 v21, v22  }
0x199: {  	v22 =	vperm.xlane v21, v18;
	_ =	sdelay $0x1  }
0x19a: {  	v21 =	vperm.xlane v21, v20;
	v22 =	vadd.s32 v19, v22;
	_ =	sdelay $0x1  }
0x19b: {  	v21 =	vadd.s32 v19, v21;
	_ =	sdelay $0x2  }
0x19c: {  	[tilespmem:s11], [sflag:$0x1] =	stream.indirect_vreg.gather [hbm4b:s3+s2], $0x80, v22, vm0, $0xb8;
	[tilespmem:$0xE500] =	vst v63  }
0x19d: {  	s0 =	simm.s32 $0x6D00  }
0x19e: {  	[tilespmem:s0], [sflag:$0x1] =	stream.indirect_vreg.gather [hbm4b:s3+s2], $0x80, v21, vm0, $0xb8;
	[tilespmem:$0xE500] =	vst v63  }
0x19f: {  	v21 =	vld [tilespmem:$0x6490];
	_ =	sdelay $0x4  }
0x1a0: {  	v22 =	vshll.u32 v21, $0x1  }
0x1a1: {  	v21 =	vand.u32 $0x7, v21;
	v22 =	vand.u32 $0xFFFFFFF0, v22  }
0x1a2: {  	v21 =	vor.u32 v21, v22  }
0x1a3: {  	v22 =	vperm.xlane v21, v18;
	_ =	sdelay $0x1  }
0x1a4: {  	v21 =	vperm.xlane v21, v20;
	v22 =	vadd.s32 v19, v22;
	_ =	sdelay $0x1  }
0x1a5: {  	v21 =	vadd.s32 v19, v21;
	_ =	sdelay $0x1  }
0x1a6: {  	s30 =	simm.s32 $0x7500  }
0x1a7: {  	[tilespmem:s30], [sflag:$0x1] =	stream.indirect_vreg.gather [hbm4b:s3+s2], $0x80, v22, vm0, $0xb8;
	[tilespmem:$0xE500] =	vst v63  }
0x1a8: {  	s31 =	simm.s32 $0x7D00  }
0x1a9: {  	[tilespmem:s31], [sflag:$0x1] =	stream.indirect_vreg.gather [hbm4b:s3+s2], $0x80, v21, vm0, $0xb8;
	[tilespmem:$0xE500] =	vst v63  }
0x1aa: {  	v21 =	vld [tilespmem:$0x64A0];
	_ =	sdelay $0x4  }
0x1ab: {  	v22 =	vshll.u32 v21, $0x1  }
0x1ac: {  	v21 =	vand.u32 $0x7, v21;
	v22 =	vand.u32 $0xFFFFFFF0, v22  }
0x1ad: {  	v21 =	vor.u32 v21, v22  }
0x1ae: {  	v22 =	vperm.xlane v21, v18;
	_ =	sdelay $0x1  }
0x1af: {  	v21 =	vperm.xlane v21, v20;
	v22 =	vadd.s32 v19, v22;
	_ =	sdelay $0x1  }
0x1b0: {  	v21 =	vadd.s32 v19, v21;
	_ =	sdelay $0x2  }
0x1b1: {  	[tilespmem:s15], [sflag:$0x1] =	stream.indirect_vreg.gather [hbm4b:s3+s2], $0x80, v22, vm0, $0xb8;
	[tilespmem:$0xE500] =	vst v63  }
0x1b2: {  	_ = 	snop  }
0x1b3: {  	[tilespmem:s16], [sflag:$0x1] =	stream.indirect_vreg.gather [hbm4b:s3+s2], $0x80, v21, vm0, $0xb8;
	[tilespmem:$0xE500] =	vst v63  }
0x1b4: {  	v21 =	vld [tilespmem:$0x64B0];
	_ =	sdelay $0x4  }
0x1b5: {  	v22 =	vshll.u32 v21, $0x1  }
0x1b6: {  	v21 =	vand.u32 $0x7, v21;
	v22 =	vand.u32 $0xFFFFFFF0, v22  }
0x1b7: {  	v21 =	vor.u32 v21, v22  }
0x1b8: {  	v22 =	vperm.xlane v21, v18;
	_ =	sdelay $0x1  }
0x1b9: {  	v21 =	vperm.xlane v21, v20;
	v22 =	vadd.s32 v19, v22;
	_ =	sdelay $0x1  }
0x1ba: {  	v21 =	vadd.s32 v19, v21;
	_ =	sdelay $0x2  }
0x1bb: {  	[tilespmem:s17], [sflag:$0x1] =	stream.indirect_vreg.gather [hbm4b:s3+s2], $0x80, v22, vm0, $0xb8;
	[tilespmem:$0xE500] =	vst v63  }
0x1bc: {  	_ = 	snop  }
0x1bd: {  	[tilespmem:s18], [sflag:$0x1] =	stream.indirect_vreg.gather [hbm4b:s3+s2], $0x80, v21, vm0, $0xb8;
	[tilespmem:$0xE500] =	vst v63  }
0x1be: {  	v21 =	vld [tilespmem:$0x64C0];
	_ =	sdelay $0x4  }
0x1bf: {  	v22 =	vshll.u32 v21, $0x1  }
0x1c0: {  	v21 =	vand.u32 $0x7, v21;
	v22 =	vand.u32 $0xFFFFFFF0, v22  }
0x1c1: {  	v21 =	vor.u32 v21, v22  }
0x1c2: {  	v22 =	vperm.xlane v21, v18;
	_ =	sdelay $0x1  }
0x1c3: {  	v21 =	vperm.xlane v21, v20;
	v22 =	vadd.s32 v19, v22;
	_ =	sdelay $0x1  }
0x1c4: {  	v21 =	vadd.s32 v19, v21;
	_ =	sdelay $0x2  }
0x1c5: {  	[tilespmem:s19], [sflag:$0x1] =	stream.indirect_vreg.gather [hbm4b:s3+s2], $0x80, v22, vm0, $0xb8;
	[tilespmem:$0xE500] =	vst v63  }
0x1c6: {  	_ = 	snop  }
0x1c7: {  	[tilespmem:s20], [sflag:$0x1] =	stream.indirect_vreg.gather [hbm4b:s3+s2], $0x80, v21, vm0, $0xb8;
	[tilespmem:$0xE500] =	vst v63  }
0x1c8: {  	v21 =	vld [tilespmem:$0x64D0];
	_ =	sdelay $0x4  }
0x1c9: {  	v22 =	vshll.u32 v21, $0x1  }
0x1ca: {  	v21 =	vand.u32 $0x7, v21;
	v22 =	vand.u32 $0xFFFFFFF0, v22  }
0x1cb: {  	v21 =	vor.u32 v21, v22  }
0x1cc: {  	v22 =	vperm.xlane v21, v18;
	_ =	sdelay $0x1  }
0x1cd: {  	v21 =	vperm.xlane v21, v20;
	v22 =	vadd.s32 v19, v22;
	_ =	sdelay $0x1  }
0x1ce: {  	v21 =	vadd.s32 v19, v21;
	_ =	sdelay $0x2  }
0x1cf: {  	[tilespmem:s21], [sflag:$0x1] =	stream.indirect_vreg.gather [hbm4b:s3+s2], $0x80, v22, vm0, $0xb8;
	[tilespmem:$0xE500] =	vst v63  }
0x1d0: {  	_ = 	snop  }
0x1d1: {  	[tilespmem:s22], [sflag:$0x1] =	stream.indirect_vreg.gather [hbm4b:s3+s2], $0x80, v21, vm0, $0xb8;
	[tilespmem:$0xE500] =	vst v63  }
0x1d2: {  	v21 =	vld [tilespmem:$0x64E0];
	_ =	sdelay $0x4  }
0x1d3: {  	v22 =	vshll.u32 v21, $0x1  }
0x1d4: {  	v21 =	vand.u32 $0x7, v21;
	v22 =	vand.u32 $0xFFFFFFF0, v22  }
0x1d5: {  	v21 =	vor.u32 v21, v22  }
0x1d6: {  	v22 =	vperm.xlane v21, v18;
	_ =	sdelay $0x1  }
0x1d7: {  	v21 =	vperm.xlane v21, v20;
	v22 =	vadd.s32 v19, v22;
	_ =	sdelay $0x1  }
0x1d8: {  	v21 =	vadd.s32 v19, v21;
	_ =	sdelay $0x2  }
0x1d9: {  	[tilespmem:s23], [sflag:$0x1] =	stream.indirect_vreg.gather [hbm4b:s3+s2], $0x80, v22, vm0, $0xb8;
	[tilespmem:$0xE500] =	vst v63  }
0x1da: {  	_ = 	snop  }
0x1db: {  	[tilespmem:s24], [sflag:$0x1] =	stream.indirect_vreg.gather [hbm4b:s3+s2], $0x80, v21, vm0, $0xb8;
	[tilespmem:$0xE500] =	vst v63  }
0x1dc: {  	v21 =	vld [tilespmem:$0x64F0];
	_ =	sdelay $0x4  }
0x1dd: {  	v22 =	vshll.u32 v21, $0x1  }
0x1de: {  	v21 =	vand.u32 $0x7, v21;
	v22 =	vand.u32 $0xFFFFFFF0, v22  }
0x1df: {  	v21 =	vor.u32 v21, v22  }
0x1e0: {  	v22 =	vperm.xlane v21, v18;
	_ =	sdelay $0x1  }
0x1e1: {  	v21 =	vperm.xlane v21, v20;
	v22 =	vadd.s32 v19, v22;
	_ =	sdelay $0x1  }
0x1e2: {  	v21 =	vadd.s32 v19, v21;
	_ =	sdelay $0x2  }
0x1e3: {  	[tilespmem:s25], [sflag:$0x1] =	stream.indirect_vreg.gather [hbm4b:s3+s2], $0x80, v22, vm0, $0xb8;
	[tilespmem:$0xE500] =	vst v63  }
0x1e4: {  	_ = 	snop  }
0x1e5: {  	[tilespmem:s26], [sflag:$0x1] =	stream.indirect_vreg.gather [hbm4b:s3+s2], $0x80, v21, vm0, $0xb8;
	[tilespmem:$0xE500] =	vst v63  }
0x1e6: {  	_ =	swait.ge [sflag:s10], $0x8000  }
0x1e7: {  	[sflag:s10] =	ssyncset.done $0x0  }
0x1e8: {  	[sflag:s10] =	ssyncadd.s32 $0xFFFF8000  }
0x1e9: {  	[hbm4b:s6+s2] =	stream.linear.scatter [tilespmem:s11], [sflag:$0x2], $0x8000, $0x38;
	[tilespmem:$0xE500] =	vst v63  }
0x1ea: {  	s29 =	sadd.s32 $0x1, s29;
	_ =	swait.ge [sflag:s9], $0x8000  }
0x1eb: {  	p0 =	sne.s32 s29, s8;
	[sflag:s9] =	ssyncset.done $0x0  }
.Ltmp3:
0x1ec: {  	[sflag:s9] =	ssyncadd.s32 $0xFFFF8000;
	(pc) =	sbr.rel @p0 .LBB2_2-.Ltmp3, $4  }
0x1ed: {  	[hbm4b:s4+s2] =	stream.linear.scatter [tilespmem:s28], [sflag:$0x2], $0x80, $0x38;
	[tilespmem:$0xE500] =	vst v63  }
0x1ee: {  	_ =	swait.ge [sflag:s9], $0x80  }
0x1ef: {  	[sflag:s9] =	ssyncset.done $0x0  }
0x1f0: {  	[sflag:s9] =	ssyncadd.s32 $0xFFFFFF80  }
.LBB2_7:
0x1f1: {  	_ =	sfence.sel $0x180000  }
0x1f2: {  	[bflag:$0x0] =	sbarrier.arrive $0xFFFF  }
0x1f3: {  	_ =	strace $0x90000047  }
0x1f4: {  	s0 =	stileid.u32;
	[bflag:$0x2] =	sbarrier.arrive $0xFFFF  }
0x1f5: {  	p0 =	sne.s32 s0, $0x0;
	s0 =	rddreg [dreg:$0x2]  }
0x1f6: {  	s0 =	sadd.s32 @!p0 $0x100000, s0  }
0x1f7: {  	[sflag:s0] =	ssyncadd.tile.s32 @!p0 $0x1;
	_ =	shalt  }
.Lfunc_end2:
_tile_overlayer_lowered:
.L_overlay_start_2:
0x1f8: {  	(tag) =	ssettag $0x2  }
0x1f9: {  	s0 =	rddreg [dreg:$0x0];
	s2 =	stileid.u32  }
0x1fa: {  	s1 =	rddreg [dreg:$0x1];
	p0 =	sne.s32 s2, $0x0  }
0x1fb: {  	s3 =	rddreg [dreg:$0x2];
	[bflag:$0x3] =	sbarrier.arrive $0xFFFF;
	s2 =	simm.s32 @!p0 $0x1C02  }
0x1fc: {  	[timem:s3], [sflag:s2] =	dma.local @!p0 [hbm:s0], s1  }
0x1fd: {  	s0 =	simm.s32 @!p0 $0x2  }
0x1fe: {  	_ =	swait.ge @!p0 [sflag:s0], s1  }
0x1ff: {  	s1 =	ssub.s32 @!p0 $0x0, s1;
	[sflag:s0] =	ssyncset.done @!p0 $0x0  }
0x200: {  	[sflag:s0] =	ssyncadd.s32 @!p0 s1  }
0x201: {  	[bflag:$0x3] =	sbarrier.arrive $0xFFFF  }
0x202: {  	_ =	shalt  }

</sc_bundles>
